<compile_context>
chip_gen: v7x
topology: tpu7x:2x2x1
jax: 0.10.2.dev20260603
libtpu: 0.0.44.dev20260713+nightly
codegen_flags: <defaults>
</compile_context>

<pallas_src>
import jax
import jax.numpy as jnp
from jax.experimental import pallas as pl
from jax.experimental.pallas import tpu as pltpu

_N = 3200000
_S = 50000
_B = 5120


def _ew_body(x_ref, u_ref, d_ref, z_ref, dmax_ref):
    x = x_ref[...]
    x0 = x[:, 0]
    x1 = x[:, 1]
    x2 = x[:, 2]
    u = jnp.arctan2(x1, x0)
    d = jnp.sqrt(x0 * x0 + x1 * x1 + x2 * x2)
    u_ref[...] = u
    d_ref[...] = d
    z_ref[...] = x2

    @pl.when(pl.program_id(0) == 0)
    def _():
        dmax_ref[...] = jnp.full((1, 1), -jnp.inf, jnp.float32)

    dmax_ref[...] = jnp.maximum(dmax_ref[...], jnp.max(d)[None, None])


def _elementwise(x):
    grid = (_N // _B,)
    return pl.pallas_call(
        _ew_body,
        grid=grid,
        in_specs=[pl.BlockSpec((_B, 3), lambda i: (i, 0))],
        out_specs=[
            pl.BlockSpec((_B,), lambda i: (i,)),
            pl.BlockSpec((_B,), lambda i: (i,)),
            pl.BlockSpec((_B,), lambda i: (i,)),
            pl.BlockSpec((1, 1), lambda i: (0, 0)),
        ],
        out_shape=[
            jax.ShapeDtypeStruct((_N,), jnp.float32),
            jax.ShapeDtypeStruct((_N,), jnp.float32),
            jax.ShapeDtypeStruct((_N,), jnp.float32),
            jax.ShapeDtypeStruct((1, 1), jnp.float32),
        ],
    )(x)


def kernel(x, segment_ids):
    v = segment_ids.astype(jnp.int32)
    u, d, z, dmax = _elementwise(x)
    dmax = dmax[0, 0]
    seg_sum = jax.ops.segment_sum(z, v, num_segments=_S, indices_are_sorted=True)
    seg_cnt = jax.ops.segment_sum(jnp.ones_like(z), v, num_segments=_S,
                                  indices_are_sorted=True)
    vmean = seg_sum / jnp.maximum(seg_cnt, 1.0)
    i = jnp.argsort(vmean)
    v2 = jnp.take(i, v)
    U = jnp.stack([u, v2.astype(u.dtype), d - dmax * 0.5], axis=1)
    absU = jnp.abs(U)
    bbox = jax.ops.segment_max(absU, v2, num_segments=_S) * jnp.array(
        [1.0, 0.0, 1.0], dtype=x.dtype)
    dims = jnp.sum(bbox, axis=-1)
    return (U, bbox, dims)

# --- scband reference (transcript-rebuilt; emitter-appended) ---
"""Pipeline reference for scband-dynamic-tree2-71399536329425 (READ-ONLY COPY).

The authoritative reference and input builder live on the scoring server;
editing this copy changes nothing except your own understanding.
"""

import jax, jax.numpy as jnp
import numpy as np

N = 3200000
NUM_SEG = 50000

def setup_inputs(seed: int = 0) -> dict:
    key = jax.random.key(seed)
    k1, k2 = jax.random.split(key)
    x = jax.random.normal(k1, (N, 3), dtype=jnp.float32)
    segment_ids = jnp.sort(jax.random.randint(k2, (N,), 0, NUM_SEG, dtype=jnp.int64))
    return {"x": x, "segment_ids": segment_ids}

def reference(x, segment_ids):
    # Faithful JAX translation of the segment-reduce core of DynamicTree2.encoder:
    #   u = atan2(X[...,1], X[...,0]); d = norm(X)
    #   vmean = unsorted_segment_mean(X[...,-1], v, vmax)
    #   i = argsort(vmean); v = gather(i, v)
    #   U = stack([u, cast(v), d - dmax*0.5], axis=1)
    #   bbox = unsorted_segment_max(|U|, v, vmax) * (1,0,1); dims = reduce_sum(bbox, -1)
    v = segment_ids
    vmax = NUM_SEG
    u = jnp.arctan2(x[:, 1], x[:, 0])
    d = jnp.linalg.norm(x, axis=-1)
    # unsorted_segment_mean = segment_sum / counts
    seg_sum = jax.ops.segment_sum(x[:, -1], v, num_segments=vmax)
    seg_cnt = jax.ops.segment_sum(jnp.ones_like(x[:, -1]), v, num_segments=vmax)
    vmean = seg_sum / jnp.maximum(seg_cnt, 1.0)
    i = jnp.argsort(vmean)
    v2 = jnp.take(i, v)  # tf.gather(i, v)
    dmax = jnp.max(d)
    U = jnp.stack([u, v2.astype(u.dtype), d - dmax * 0.5], axis=1)
    absU = jnp.abs(U)
    bbox = jax.ops.segment_max(absU, v2, num_segments=vmax) * jnp.array([1.0, 0.0, 1.0], dtype=x.dtype)
    dims = jnp.sum(bbox, axis=-1)
    return (U, bbox, dims)

if __name__ == "__main__":
    import jax
    _d = setup_inputs()
    print(jax.jit(kernel)(*tuple(_d.values())))

</pallas_src>

<mosaic_0001>
module attributes {stable_mosaic.version = 14 : i64} {
  func.func @_ew_body(%arg0: i32, %arg1: memref<5120x3xf32, #tpu.memory_space<vmem>>, %arg2: memref<5120xf32, #tpu.memory_space<vmem>>, %arg3: memref<5120xf32, #tpu.memory_space<vmem>>, %arg4: memref<5120xf32, #tpu.memory_space<vmem>>, %arg5: memref<1x1xf32, #tpu.memory_space<vmem>>) attributes {dimension_semantics = [#tpu.dimension_semantics<arbitrary>], iteration_bounds = array<i64: 625>, scalar_prefetch = 0 : i64, scratch_operands = 0 : i64, tpu.core_type = #tpu.core_type<tc>, window_params = [{transform_indices = @transform_0, window_bounds = array<i64: 5120, 3>}, {transform_indices = @transform_1, window_bounds = array<i64: 5120>}, {transform_indices = @transform_2, window_bounds = array<i64: 5120>}, {transform_indices = @transform_3, window_bounds = array<i64: 5120>}, {pipeline_mode = #tpu.pipeline_mode<synchronous>, transform_indices = @transform_4, window_bounds = array<i64: 1, 1>}]} {
    %get3A = arith.constant 0 : index
    %get3A_0 = arith.constant 0 : index
    %get3A_1 = vector.load %arg1[%get3A, %get3A_0] : memref<5120x3xf32, #tpu.memory_space<vmem>>, vector<5120x3xf32>
    %slice3A = vector.extract_strided_slice %get3A_1 {offsets = [0, 0], sizes = [5120, 1], strides = [1, 1]} : vector<5120x3xf32> to vector<5120x1xf32>
    %squeeze3A = vector.shape_cast %slice3A : vector<5120x1xf32> to vector<5120xf32>
    %slice3A_2 = vector.extract_strided_slice %get3A_1 {offsets = [0, 1], sizes = [5120, 1], strides = [1, 1]} : vector<5120x3xf32> to vector<5120x1xf32>
    %squeeze3A_3 = vector.shape_cast %slice3A_2 : vector<5120x1xf32> to vector<5120xf32>
    %slice3A_4 = vector.extract_strided_slice %get3A_1 {offsets = [0, 2], sizes = [5120, 1], strides = [1, 1]} : vector<5120x3xf32> to vector<5120x1xf32>
    %squeeze3A_5 = vector.shape_cast %slice3A_4 : vector<5120x1xf32> to vector<5120xf32>
    %atan23A = math.atan2 %squeeze3A_3, %squeeze3A : vector<5120xf32>
    %mul3A = arith.mulf %squeeze3A, %squeeze3A : vector<5120xf32>
    %mul3A_6 = arith.mulf %squeeze3A_3, %squeeze3A_3 : vector<5120xf32>
    %add3A = arith.addf %mul3A, %mul3A_6 : vector<5120xf32>
    %mul3A_7 = arith.mulf %squeeze3A_5, %squeeze3A_5 : vector<5120xf32>
    %add3A_8 = arith.addf %add3A, %mul3A_7 : vector<5120xf32>
    %sqrt3A = math.sqrt %add3A_8 : vector<5120xf32>
    %swap3A = arith.constant 0 : index
    %swap3A_9 = vector.load %arg2[%swap3A] : memref<5120xf32, #tpu.memory_space<vmem>>, vector<5120xf32>
    tpu.vector_store %arg2[%swap3A], %atan23A {strides = array<i32>} : memref<5120xf32, #tpu.memory_space<vmem>>, vector<5120xf32>,
    %swap3A_10 = arith.constant 0 : index
    %swap3A_11 = vector.load %arg3[%swap3A_10] : memref<5120xf32, #tpu.memory_space<vmem>>, vector<5120xf32>
    tpu.vector_store %arg3[%swap3A_10], %sqrt3A {strides = array<i32>} : memref<5120xf32, #tpu.memory_space<vmem>>, vector<5120xf32>,
    %swap3A_12 = arith.constant 0 : index
    %swap3A_13 = vector.load %arg4[%swap3A_12] : memref<5120xf32, #tpu.memory_space<vmem>>, vector<5120xf32>
    tpu.vector_store %arg4[%swap3A_12], %squeeze3A_5 {strides = array<i32>} : memref<5120xf32, #tpu.memory_space<vmem>>, vector<5120xf32>,
    %eq3A = arith.constant 0 : i32
    %eq3A_14 = arith.cmpi eq, %arg0, %eq3A : i32
    %convert_element_type3A = arith.extui %eq3A_14 : i1 to i32
    %cond3A = arith.constant 0 : i32
    %cond3A_15 = arith.cmpi ne, %convert_element_type3A, %cond3A : i32
    scf.if %cond3A_15 {
      %broadcast_in_dim3A_26 = arith.constant 0xFF800000 : f32
      %broadcast_in_dim3A_27 = vector.broadcast %broadcast_in_dim3A_26 : f32 to vector<1x1xf32>
      %swap3A_28 = arith.constant 0 : index
      %swap3A_29 = arith.constant 0 : index
      %swap3A_30 = vector.load %arg5[%swap3A_28, %swap3A_29] : memref<1x1xf32, #tpu.memory_space<vmem>>, vector<1x1xf32>
      tpu.vector_store %arg5[%swap3A_28, %swap3A_29], %broadcast_in_dim3A_27 {strides = array<i32>} : memref<1x1xf32, #tpu.memory_space<vmem>>, vector<1x1xf32>,
    } else {
    }
    %get3A_16 = arith.constant 0 : index
    %get3A_17 = arith.constant 0 : index
    %get3A_18 = vector.load %arg5[%get3A_16, %get3A_17] : memref<1x1xf32, #tpu.memory_space<vmem>>, vector<1x1xf32>
    %reduce_max3A = vector.shape_cast %sqrt3A : vector<5120xf32> to vector<1x5120xf32>
    %reduce_max3A_19 = arith.constant dense<0xFF800000> : vector<1xf32>
    %reduce_max3A_20 = vector.multi_reduction <maximumf>, %reduce_max3A, %reduce_max3A_19 [1] : vector<1x5120xf32> to vector<1xf32>
    %reduce_max3A_21 = vector.shape_cast %reduce_max3A_20 : vector<1xf32> to vector<1x1xf32>
    %reduce_max3A_22 = vector.extract %reduce_max3A_21[0, 0] : f32 from vector<1x1xf32>
    %broadcast_in_dim3A = vector.broadcast %reduce_max3A_22 : f32 to vector<1x1xf32>
    %max3A = arith.maximumf %get3A_18, %broadcast_in_dim3A : vector<1x1xf32>
    %swap3A_23 = arith.constant 0 : index
    %swap3A_24 = arith.constant 0 : index
    %swap3A_25 = vector.load %arg5[%swap3A_23, %swap3A_24] : memref<1x1xf32, #tpu.memory_space<vmem>>, vector<1x1xf32>
    tpu.vector_store %arg5[%swap3A_23, %swap3A_24], %max3A {strides = array<i32>} : memref<1x1xf32, #tpu.memory_space<vmem>>, vector<1x1xf32>,
    return
  }
  func.func @transform_0(%arg0: i32) -> (i32, i32) {
    %c0_i32 = arith.constant 0 : i32
    %c0_i32_0 = arith.constant 0 : i32
    return %arg0, %c0_i32 : i32, i32
  }
  func.func @transform_1(%arg0: i32) -> i32 {
    %c0_i32 = arith.constant 0 : i32
    return %arg0 : i32
  }
  func.func @transform_2(%arg0: i32) -> i32 {
    %c0_i32 = arith.constant 0 : i32
    return %arg0 : i32
  }
  func.func @transform_3(%arg0: i32) -> i32 {
    %c0_i32 = arith.constant 0 : i32
    return %arg0 : i32
  }
  func.func @transform_4(%arg0: i32) -> (i32, i32) {
    %c0_i32 = arith.constant 0 : i32
    %c0_i32_0 = arith.constant 0 : i32
    %c0_i32_1 = arith.constant 0 : i32
    return %c0_i32, %c0_i32_0 : i32, i32
  }
}

</mosaic_0001>

<sc_bundles>
// kernel: scatter_offload_async_start.1
scs
__scs_entry_jumppad:
0x0: {  	(pc) =	sbr.rel $0x88, $3  }
0x1: {  	(tag) =	ssettag $0x0;
	lr =	simm.s32 $0x1  }
0x2: {  	[smem:$0x3F9F] =	sst lr;
	_ =	strace $0xD0000000  }
0x3: {  	_ = 	snop  }
0x4: {  	_ = 	snop  }
0x5: {  	_ = 	snop  }
0x6: {  	_ = 	snop  }
0x7: {  	_ = 	snop  }
__scs_overlays_trampoline_lowered:
0x8: {  	[smem:$0x3FAE] =	sst s0  }
0x9: {  	[smem:$0x3FAF] =	sst s1  }
0xa: {  	[smem:$0x3FB0] =	sst s2  }
0xb: {  	[smem:$0x3FB1] =	sst s3  }
0xc: {  	[smem:$0x3FB2] =	sst s4  }
0xd: {  	[smem:$0x3FB3] =	sst s5  }
0xe: {  	[smem:$0x3FB4] =	sst s6  }
0xf: {  	[smem:$0x3FB5] =	sst s7  }
0x10: {  	[smem:$0x3FB6] =	sst s8  }
0x11: {  	[smem:$0x3FB7] =	sst s9;
	s0 =	simm.s32 @!p0 $0x0  }
0x12: {  	s1 =	sld [smem:$0x3F9D];
	s0 =	simm.s32 @p0 $0x1  }
0x13: {  	[smem:$0x3FB8] =	sst s0;
	s0 =	simm.s32 @!p1 $0x0  }
0x14: {  	s2 =	sld [smem:$0x3F9C];
	s0 =	simm.s32 @p1 $0x1  }
0x15: {  	[smem:$0x3FB9] =	sst s0;
	s0 =	simm.s32 @!p2 $0x0  }
0x16: {  	s3 =	sld [smem:$0x3FDB];
	s0 =	simm.s32 @p2 $0x1  }
0x17: {  	s4 =	simm.s32 $0x1BF5;
	[smem:$0x3FBB] =	sst s0  }
0x18: {  	s0 =	sld [smem:$0x3F9E];
	_ =	swait.ge [sflag:s4], $0x0  }
0x19: {  	s7 =	sld [smem:$0x3F9F]  }
0x1a: {  	s8 =	sadd.s32 $0xFFFFE003, lr  }
0x1b: {  	s9 =	sadd.s32 $0xFFFFFEF7, lr;
	s5 =	simm.s32 $0xFFFFFFFF;
	p2 =	slt.u32 s8, $0xFFFFF086  }
0x1c: {  	p1 =	slt.u32 s9, $0xF7A;
	s5 =	simm.s32 @!p2 $0x0  }
0x1d: {  	s5 =	simm.s32 @p1 $0x1;
	p0 =	seq.s32 s7, s2  }
0x1e: {  	s7 =	smul.u32 @!p0 $0xF7A, s2;
	p2 =	seq.s32 @!p0 s5, $0x0  }
0x1f: {  	s9 =	smul.u32 $0xF7A, s1;
	s8 =	simm.s32 @!p0 $0x1BF5;
	p2 =	por !p2, p0  }
0x20: {  	[sflag:s8] =	ssyncset.s32 @!p0 $0xFFFFF086;
	s6 =	sadd.s32 @!p0 s3, s7;
	s7 =	simm.s32 @!p0 $0x108  }
0x21: {  	s3 =	sadd.s32 s3, s9;
	s6 =	sadd.s32 @!p0 $0x88, s6;
	s7 =	simm.s32 @p2 $0x1082  }
0x22: {  	[simem:s7], [sflag:s8] =	dma.local @!p0 [hbm:s6], $0xF7A  }
0x23: {  	s9 =	sor.u32 $0xD0000000, s2;
	s6 =	simm.s32 $0x108;
	_ =	swait.ge @!p0 [sflag:s8], $0x0  }
0x24: {  	s3 =	sadd.s32 $0x88, s3;
	s6 =	simm.s32 @!p1 $0x1082;
	[sflag:s4] =	ssyncset.s32 $0xFFFFF086  }
0x25: {  	[simem:s6], [sflag:s4] =	dma.local [hbm:s3], $0xF7A  }
0x26: {  	[smem:$0x3F9F] =	sst s1;
	(tag) =	ssettag s2;
	_ =	strace s9  }
0x27: {  	s1 =	sld [smem:$0x3FAF]  }
0x28: {  	s2 =	sld [smem:$0x3FB0]  }
0x29: {  	s4 =	sld [smem:$0x3FB2]  }
0x2a: {  	p0 =	seq.s32 s5, $0x0;
	s5 =	sld [smem:$0x3FB3]  }
0x2b: {  	s6 =	sld [smem:$0x3FB4]  }
0x2c: {  	s7 =	sld [smem:$0x3FB5]  }
0x2d: {  	s3 =	simm.s32 $0x108;
	s8 =	sld [smem:$0x3FB6]  }
0x2e: {  	s3 =	simm.s32 @!p0 $0x1082;
	s9 =	sld [smem:$0x3FB7]  }
0x2f: {  	lr =	sadd.s32 s0, s3;
	s0 =	sld [smem:$0x3FAE]  }
0x30: {  	s3 =	sld [smem:$0x3FB1]  }
0x31: {  	[smem:$0x3FBA] =	sst s10  }
0x32: {  	s10 =	sld [smem:$0x3FB8];
	_ =	sdelay $0x3  }
0x33: {  	p0 =	seq.s32 s10, $0x1;
	s10 =	sld [smem:$0x3FBA];
	_ =	sdelay $0x3  }
0x34: {  	[smem:$0x3FBA] =	sst s10  }
0x35: {  	s10 =	sld [smem:$0x3FB9];
	_ =	sdelay $0x3  }
0x36: {  	p1 =	seq.s32 s10, $0x1;
	s10 =	sld [smem:$0x3FBA];
	_ =	sdelay $0x3  }
0x37: {  	[smem:$0x3FBA] =	sst s10  }
0x38: {  	s10 =	sld [smem:$0x3FBB]  }
0x39: {  	_ = 	snop;
	(pc) =	sbr.ind lr, $3  }
0x3a: {  	_ = 	snop  }
0x3b: {  	_ = 	snop  }
0x3c: {  	p2 =	seq.s32 s10, $0x1;
	s10 =	sld [smem:$0x3FBA]  }
0x3d: {  	_ =	shalt  }
0x3e: {  	_ =	shalt  }
0x3f: {  	_ =	shalt  }
0x40: {  	_ =	shalt  }
0x41: {  	_ =	shalt  }
0x42: {  	_ =	shalt  }
0x43: {  	_ =	shalt  }
0x44: {  	_ =	shalt  }
0x45: {  	_ =	shalt  }
0x46: {  	_ =	shalt  }
0x47: {  	_ =	shalt  }
0x48: {  	_ =	shalt  }
0x49: {  	_ =	shalt  }
0x4a: {  	_ =	shalt  }
0x4b: {  	_ =	shalt  }
0x4c: {  	_ =	shalt  }
0x4d: {  	_ =	shalt  }
0x4e: {  	_ =	shalt  }
0x4f: {  	_ =	shalt  }
0x50: {  	_ =	shalt  }
0x51: {  	_ =	shalt  }
0x52: {  	_ =	shalt  }
0x53: {  	_ =	shalt  }
0x54: {  	_ =	shalt  }
0x55: {  	_ =	shalt  }
0x56: {  	_ =	shalt  }
0x57: {  	_ =	shalt  }
0x58: {  	_ =	shalt  }
0x59: {  	_ =	shalt  }
0x5a: {  	_ =	shalt  }
0x5b: {  	_ =	shalt  }
0x5c: {  	_ =	shalt  }
0x5d: {  	_ =	shalt  }
0x5e: {  	_ =	shalt  }
0x5f: {  	_ =	shalt  }
0x60: {  	_ =	shalt  }
0x61: {  	_ =	shalt  }
0x62: {  	_ =	shalt  }
0x63: {  	_ =	shalt  }
0x64: {  	_ =	shalt  }
0x65: {  	_ =	shalt  }
0x66: {  	_ =	shalt  }
0x67: {  	_ =	shalt  }
0x68: {  	_ =	shalt  }
0x69: {  	_ =	shalt  }
0x6a: {  	_ =	shalt  }
0x6b: {  	_ =	shalt  }
0x6c: {  	_ =	shalt  }
0x6d: {  	_ =	shalt  }
0x6e: {  	_ =	shalt  }
0x6f: {  	_ =	shalt  }
0x70: {  	_ =	shalt  }
0x71: {  	_ =	shalt  }
0x72: {  	_ =	shalt  }
0x73: {  	_ =	shalt  }
0x74: {  	_ =	shalt  }
0x75: {  	_ =	shalt  }
0x76: {  	_ =	shalt  }
0x77: {  	_ =	shalt  }
0x78: {  	_ =	shalt  }
0x79: {  	_ =	shalt  }
0x7a: {  	_ =	shalt  }
0x7b: {  	_ =	shalt  }
0x7c: {  	_ =	shalt  }
0x7d: {  	_ =	shalt  }
0x7e: {  	_ =	shalt  }
0x7f: {  	_ =	shalt  }
0x80: {  	_ =	shalt  }
0x81: {  	_ =	shalt  }
0x82: {  	_ =	shalt  }
0x83: {  	_ =	shalt  }
0x84: {  	_ =	shalt  }
0x85: {  	_ =	shalt  }
0x86: {  	_ =	shalt  }
0x87: {  	_ =	shalt  }
.Lfunc_end0:
.L_simem_size_0:
called_computation.1_lowered:
.L_overlay_start_0:
0x88: {  	s0 =	sld [smem:$0x3FD9]  }
0x89: {  	s1 =	sld [smem:$0x3FFE];
	_ =	sdelay $0x3  }
0x8a: {  	s0 =	sadd.s32 s1, s0  }
0x8b: {  	[smem:$0x3FC6] =	sst s0  }
0x8c: {  	_ = 	snop  }
0x8d: {  	s12 =	sld [smem:$0x3FD0];
	_ =	sdelay $0x2  }
0x8e: {  	s3 =	simm.s32 $0xD;
	s2 =	simm.s32 $0x10;
	s0 =	sld [smem:$0x3FC8]  }
0x8f: {  	[smem:s2], [sflag:s3] =	dma.local [hbm:s12], $0x1  }
0x90: {  	_ =	swait.eq [sflag:s3], $0x1  }
0x91: {  	[sflag:s3] =	ssyncset.done $0x0  }
0x92: {  	s13 =	sld [smem:$0x11];
	[sflag:s3] =	ssyncadd.s32 $0xFFFFFFFF  }
0x93: {  	s14 =	sld [smem:$0x12];
	(tm) =	ssettm $0x1  }
0x94: {  	s15 =	sld [smem:$0x3FFB];
	_ =	sdelay $0x3  }
0x95: {  	_ =	strace s15  }
0x96: {  	s1 =	sld [smem:$0x3FFC];
	_ =	sdelay $0x3  }
0x97: {  	_ =	strace s1  }
0x98: {  	s1 =	sld [smem:$0x3FFD];
	_ =	sdelay $0x3  }
0x99: {  	_ =	strace s1  }
0x9a: {  	_ =	strace $0x8FFFFFFF  }
0x9b: {  	s16 =	sld [smem:$0x3FDB];
	_ =	sdelay $0x1  }
0x9c: {  	s4 =	simm.s32 $_scs_section_size  }
0x9d: {  	s5 =	simm.s32 $_size__tile_overlayer_lowered;
	s6 =	simm.s32 $_tile_overlayer_lowered  }
0x9e: {  	s7 =	simm.s32 $0x1BFF;
	s17 =	sshll.u32 s6, $0x1;
	s4 =	sadd.s32 s4, s16  }
0x9f: {  	s18 =	simm.s32 $0x0;
	s5 =	sshll.u32 s5, $0x1;
	s6 =	sadd.s32 s17, s4  }
0xa0: {  	[timem:s18], [sflag:s7] =	dma.local [hbm:s6], s5  }
0xa1: {  	_ =	swait.ge [sflag:s7], s5  }
0xa2: {  	s5 =	ssub.s32 $0x0, s5;
	[sflag:s7] =	ssyncset.done $0x0  }
0xa3: {  	[sflag:s7] =	ssyncadd.s32 s5;
	_ =	sdelay $0x1  }
0xa4: {  	s19 =	simm.s32 $0x1B8B  }
0xa5: {  	_ =	swait.ge [sflag:s19], $0x1  }
0xa6: {  	[sflag:s19] =	ssyncset.done $0x0  }
0xa7: {  	s21 =	simm.s32 $0x1B8E;
	s20 =	sld [smem:$0x3FFE];
	[sflag:s19] =	ssyncadd.s32 $0xFFFFFFFF  }
0xa8: {  	s22 =	simm.s32 $execute0_lowered;
	[smem:$0x3FD2] =	sst s21  }
0xa9: {  	s6 =	sshll.u32 s22, $0x1;
	_ =	strace $0x8000004C;
	[dreg:$0x1] =	wrdreg $0xFFFFFFFF  }
0xaa: {  	s23 =	simm.s32 $_size_execute0_lowered;
	s6 =	sadd.s32 s4, s6;
	[dreg:$0x0] =	wrdreg $0x0  }
0xab: {  	s7 =	sshll.u32 s23, $0x1;
	[dreg:$0x2] =	wrdreg s6  }
0xac: {  	[dreg:$0x3] =	wrdreg s7  }
0xad: {  	[dreg:$0x4] =	wrdreg $0xC0  }
0xae: {  	s24 =	simm.s32 $execute1_lowered;
	_ =	task [dreg:s18], $0x5FFFF  }
0xaf: {  	s6 =	sshll.u32 s24, $0x1;
	[dreg:$0x1] =	wrdreg $0xFFFFFFFF  }
0xb0: {  	s4 =	sadd.s32 s4, s6;
	[dreg:$0x0] =	wrdreg $0x60  }
0xb1: {  	[dreg:$0x2] =	wrdreg s4  }
0xb2: {  	[dreg:$0x3] =	wrdreg s14  }
0xb3: {  	[dreg:$0x4] =	wrdreg s13  }
0xb4: {  	[dreg:$0x5] =	wrdreg $0xB  }
0xb5: {  	_ =	task.clear_ibuf [dreg:s18], $0x6FFFF;
	_ =	strace $0x9000004C  }
0xb6: {  	s25 =	simm.s32 $0xB;
	_ =	strace $0x8000004E  }
0xb7: {  	_ =	swait.ge [sflag:s25], $0x1  }
0xb8: {  	[sflag:s25] =	ssyncadd.s32 $0xFFFFFFFF  }
0xb9: {  	_ =	strace $0x9000004E  }
0xba: {  	_ =	strace $0x8000004F;
	[dreg:$0x1] =	wrdreg $0xFFFFFFFF  }
0xbb: {  	[dreg:$0x0] =	wrdreg $0x2030  }
0xbc: {  	[dreg:$0x2] =	wrdreg s13  }
0xbd: {  	[dreg:$0x3] =	wrdreg s0  }
0xbe: {  	[dreg:$0x4] =	wrdreg s20  }
0xbf: {  	[dreg:$0x5] =	wrdreg $0xC  }
0xc0: {  	_ =	task.clear_ibuf [dreg:s18], $0x6FFFF;
	_ =	strace $0x9000004F  }
0xc1: {  	s26 =	simm.s32 $0xC;
	_ =	strace $0x80000051  }
0xc2: {  	_ =	swait.ge [sflag:s26], $0x1  }
0xc3: {  	[sflag:s26] =	ssyncadd.s32 $0xFFFFFFFF  }
0xc4: {  	_ =	strace $0x90000051  }
0xc5: {  	_ =	sfence  }
0xc6: {  	s28 =	sld [smem:$0x0];
	_ =	sdelay $0x1  }
0xc7: {  	s29 =	srdreg.scid  }
0xc8: {  	s30 =	sshll.u32 s29, $0xD;
	s31 =	sshrl.u32 s29, $0x2  }
0xc9: {  	s2 =	sand.u32 $0x1, s29;
	s3 =	sand.u32 $0x4000, s30;
	s0 =	sadd.s32 s31, s28  }
0xca: {  	s2 =	sor.u32 s3, s2;
	s0 =	sshll.u32 s0, $0x11  }
0xcb: {  	s0 =	sor.u32 s0, s2  }
0xcc: {  	s0 =	sadd.s32 $0x8F2B, s0  }
0xcd: {  	[sflag:s0] =	ssyncadd.remote.s32 $0x1  }
0xce: {  	_ =	sfence.sel $0xFFFF  }
0xcf: {  	[dreg:$0x0] =	wrdreg $0xFFFFFFFF;
	(pc) =	sbr.abs _section_cstart, $3  }
0xd0: {  	[dreg:$0x1] =	wrdreg $0xFFFFFFFF  }
0xd1: {  	_ =	task.clear_ibuf [dreg:s18], $0x2FFFF;
	_ =	strace $0x9FFFFFFF  }
0xd2: {  	(tm) =	ssettm $0x7FFFFFFF  }
0xd3: {  	_ =	shalt  }
tec
execute0_lowered:
.L_overlay_start_1:
0x0: {  	(tag) =	ssettag $0x1  }
0x1: {  	s3 =	rddreg [dreg:$0x0]  }
0x2: {  	s5 =	rddreg [dreg:$0x1]  }
0x3: {  	s2 =	rddreg [dreg:$0x2]  }
0x4: {  	s0 =	rddreg [dreg:$0x3];
	s4 =	stileid.u32  }
0x5: {  	[bflag:$0x3] =	sbarrier.arrive $0xFFFF;
	s1 =	simm.s32 $_size_execute1_lowered;
	p0 =	sne.s32 s4, $0x0  }
0x6: {  	s1 =	sshll.u32 s1, $0x1;
	s6 =	simm.s32 @!p0 $0x1C3F;
	s7 =	simm.s32 @!p0 $0x4060  }
0x7: {  	[timem:s7], [sflag:s6] =	dma.local @!p0 [hbm:s3], s1  }
.Ltmp0:
0x8: {  	s30 =	simm.s32 $0x2;
	(pc) =	sbr.rel .LBB2_1-.Ltmp0, $4  }
0x9: {  	s8 =	simm.s32 $0x24C0;
	s10 =	simm.s32 $0x0;
	s3 =	smul.u32 $0xC40, s4  }
0xa: {  	s9 =	simm.s32 $0x0;
	s4 =	simm.s32 $0x1;
	_ =	strace $0x8000004D  }
0xb: {  	s6 =	simm.s32 $0x0;
	[sflag:s4] =	ssyncpa.u1 $0x0;
	s31 =	sshrl.u32 s3, $0x3  }
0xc: {  	s7 =	simm.s32 $0xC40;
	[sflag:s30] =	ssyncpa.u1 $0x0;
	s5 =	sadd.s32 s31, s5  }
.LBB2_9:
0xd: {  	p1 =	seq.s32 s9, $0x2  }
.Ltmp1:
0xe: {  	_ = 	snop;
	(pc) =	sbr.rel @p1 .LBB2_11-.Ltmp1, $1  }
0xf: {  	_ =	sdelay $0x3  }
.LBB2_10:
0x10: {  	s9 =	sadd.s32 $0x1, s9;
	s10 =	smov.u32 s3  }
.LBB2_1:
0x11: {  	p1 =	sne.s32 s9, $0x0  }
.Ltmp2:
0x12: {  	_ = 	snop;
	(pc) =	sbr.rel @!p1 .LBB2_2-.Ltmp2, $1  }
0x13: {  	_ =	sdelay $0x3  }
0x14: {  	s11 =	sand.u32 $0x1, s9  }
0x15: {  	p1 =	seq.s32 s11, $0x0  }
.Ltmp3:
0x16: {  	_ = 	snop;
	(pc) =	sbr.rel @p1 .LBB2_9-.Ltmp3, $1  }
0x17: {  	_ =	sdelay $0x3  }
0x18: {  	_ =	swait.ge [sflag:s4], $0xC40  }
0x19: {  	[sflag:s4] =	ssyncset.done $0x0  }
0x1a: {  	s16 =	simm.s32 $0xD30;
	[sflag:s4] =	ssyncadd.s32 $0xFFFFF3C0  }
0x1b: {  	v0 =	vld [tilespmem:s16+$0x0]  }
0x1c: {  	v1 =	vld [tilespmem:s16+$0xFFFFFF20]  }
0x1d: {  	v2 =	vld [tilespmem:s16+$0xFFFFFF30]  }
0x1e: {  	v3 =	vld [tilespmem:s16+$0xFFFFFF40]  }
0x1f: {  	s11 =	simm.s32 $0x25B0;
	v4 =	vld [tilespmem:s16+$0xFFFFFF50]  }
0x20: {  	v5 =	vld [tilespmem:s16+$0xFFFFFF60];
	[tilespmem:s11+$0x0] =	vst v0  }
0x21: {  	[tilespmem:s11+$0xFFFFFF20] =	vst v1;
	v0 =	vld [tilespmem:s16+$0xFFFFFF70]  }
0x22: {  	[tilespmem:s11+$0xFFFFFF30] =	vst v2;
	v1 =	vld [tilespmem:s16+$0xFFFFFF80]  }
0x23: {  	[tilespmem:s11+$0xFFFFFF40] =	vst v3;
	v2 =	vld [tilespmem:s16+$0xFFFFFF90]  }
0x24: {  	[tilespmem:s11+$0xFFFFFF50] =	vst v4;
	v3 =	vld [tilespmem:s16+$0xFFFFFFA0]  }
0x25: {  	[tilespmem:s11+$0xFFFFFF60] =	vst v5;
	v5 =	vld [tilespmem:s16+$0xFFFFFFB0]  }
0x26: {  	[tilespmem:s11+$0xFFFFFF70] =	vst v0;
	v0 =	vld [tilespmem:s16+$0xFFFFFFC0]  }
0x27: {  	[tilespmem:s11+$0xFFFFFF80] =	vst v1;
	v1 =	vld [tilespmem:s16+$0xFFFFFFD0]  }
0x28: {  	[tilespmem:s11+$0xFFFFFF90] =	vst v2;
	v2 =	vld [tilespmem:s16+$0xFFFFFFE0]  }
0x29: {  	s15 =	simm.s32 $0x0;
	s12 =	simm.s32 $0xBF0;
	[tilespmem:s11+$0xFFFFFFA0] =	vst v3;
	v3 =	vld [tilespmem:s16+$0xFFFFFFF0]  }
0x2a: {  	s13 =	simm.s32 $0x30C0;
	s14 =	simm.s32 $0x1840;
	v4 =	vld [tilespmem:s16+$0xFFFFFF10];
	[tilespmem:s11+$0xFFFFFFB0] =	vst v5;
	s16 =	simm.s32 $0xE30  }
.LBB2_5:
0x2b: {  	v5 =	vld [tilespmem:s16+$0x0];
	s15 =	sadd.s32 $0x100, s15;
	[tilespmem:s11+$0xFFFFFFC0] =	vst v0  }
0x2c: {  	v0 =	vld [tilespmem:s16+$0xFFFFFF20];
	p1 =	slt.u32 s15, $0xB00;
	[tilespmem:s11+$0xFFFFFFD0] =	vst v1  }
0x2d: {  	v1 =	vld [tilespmem:s16+$0xFFFFFF30];
	[tilespmem:s11+$0xFFFFFFE0] =	vst v2  }
0x2e: {  	v2 =	vld [tilespmem:s16+$0xFFFFFF40];
	[tilespmem:s11+$0xFFFFFFF0] =	vst v3  }
0x2f: {  	v3 =	vld [tilespmem:s16+$0xFFFFFF50];
	[tilespmem:s11+$0xFFFFFF10] =	vst v4;
	s11 =	sadd.s32 $0x100, s11  }
0x30: {  	v4 =	vld [tilespmem:s16+$0xFFFFFF60];
	[tilespmem:s11+$0x0] =	vst v5  }
0x31: {  	[tilespmem:s11+$0xFFFFFF20] =	vst v0;
	v0 =	vld [tilespmem:s16+$0xFFFFFF70]  }
0x32: {  	[tilespmem:s11+$0xFFFFFF30] =	vst v1;
	v1 =	vld [tilespmem:s16+$0xFFFFFF80]  }
0x33: {  	[tilespmem:s11+$0xFFFFFF40] =	vst v2;
	v2 =	vld [tilespmem:s16+$0xFFFFFF90]  }
0x34: {  	[tilespmem:s11+$0xFFFFFF50] =	vst v3;
	v3 =	vld [tilespmem:s16+$0xFFFFFFA0]  }
0x35: {  	[tilespmem:s11+$0xFFFFFF60] =	vst v4;
	v5 =	vld [tilespmem:s16+$0xFFFFFFB0]  }
.Ltmp4:
0x36: {  	[tilespmem:s11+$0xFFFFFF70] =	vst v0;
	v0 =	vld [tilespmem:s16+$0xFFFFFFC0];
	(pc) =	sbr.rel @p1 .LBB2_5-.Ltmp4, $4  }
0x37: {  	[tilespmem:s11+$0xFFFFFF80] =	vst v1;
	v1 =	vld [tilespmem:s16+$0xFFFFFFD0]  }
0x38: {  	[tilespmem:s11+$0xFFFFFF90] =	vst v2;
	v2 =	vld [tilespmem:s16+$0xFFFFFFE0]  }
0x39: {  	[tilespmem:s11+$0xFFFFFFA0] =	vst v3;
	v3 =	vld [tilespmem:s16+$0xFFFFFFF0]  }
0x3a: {  	v4 =	vld [tilespmem:s16+$0xFFFFFF10];
	[tilespmem:s11+$0xFFFFFFB0] =	vst v5;
	s16 =	sadd.s32 $0x100, s16  }
0x3b: {  	[tilespmem:s11+$0xFFFFFFC0] =	vst v0  }
0x3c: {  	[tilespmem:s11+$0xFFFFFFD0] =	vst v1  }
0x3d: {  	[tilespmem:s11+$0xFFFFFFE0] =	vst v2  }
0x3e: {  	[tilespmem:s11+$0xFFFFFFF0] =	vst v3  }
0x3f: {  	[tilespmem:s11+$0xFFFFFF10] =	vst v4  }
.LBB2_7:
0x40: {  	s12 =	sadd.s32 $0x10, s12  }
0x41: {  	v0 =	vld [tilespmem:s14+$0x0];
	p1 =	slt.u32 s12, $0xC30  }
.Ltmp5:
0x42: {  	_ = 	snop;
	(pc) =	sbr.rel @p1 .LBB2_7-.Ltmp5, $2  }
0x43: {  	_ =	sdelay $0x2  }
0x44: {  	s14 =	sadd.s32 $0x10, s14;
	[tilespmem:s13+$0x0] =	vst v0;
	s13 =	sadd.s32 $0x10, s13  }
.Ltmp6:
0x45: {  	(pc) =	sbr.rel .LBB2_9-.Ltmp6, $4  }
0x46: {  	_ = 	snop  }
0x47: {  	s10 =	sshrl.u32 s10, $0x3  }
0x48: {  	s10 =	sadd.s32 s2, s10  }
0x49: {  	[hbm4b:s10+s6] =	stream.linear.scatter [tilespmem:s8], [sflag:$0x2], $0xC40, $0x38;
	[tilespmem:$0x3100] =	vst v63  }
.LBB2_2:
.Ltmp7:
0x4a: {  	(pc) =	sbr.rel .LBB2_10-.Ltmp7, $2  }
0x4b: {  	_ =	sdelay $0x2  }
0x4c: {  	[tilespmem:s7], [sflag:$0x1] =	stream.linear.gather [hbm4b:s5+s6], $0xC40, $0x38;
	[tilespmem:$0x3100] =	vst v63  }
.LBB2_11:
0x4d: {  	s2 =	simm.s32 $0x2  }
0x4e: {  	_ =	swait.ge [sflag:s2], $0xC40  }
0x4f: {  	[sflag:s2] =	ssyncset.done $0x0  }
0x50: {  	[sflag:s2] =	ssyncadd.s32 $0xFFFFF3C0  }
0x51: {  	_ =	sfence.sel $0x180000  }
0x52: {  	s3 =	simm.s32 $0x1;
	[bflag:$0x0] =	sbarrier.arrive $0xFFFF  }
0x53: {  	[sflag:s3] =	ssyncpa.u1 $0x1  }
0x54: {  	[sflag:s2] =	ssyncpa.u1 $0x1  }
0x55: {  	_ =	strace $0x9000004D  }
0x56: {  	s0 =	sadd.s32 @!p0 $0x100000, s0;
	[bflag:$0x2] =	sbarrier.arrive $0xFFFF  }
0x57: {  	[sflag:s0] =	ssyncadd.tile.s32 @!p0 $0x1;
	s0 =	simm.s32 @!p0 $0x3F  }
0x58: {  	_ =	swait.ge @!p0 [sflag:s0], s1  }
0x59: {  	s1 =	ssub.s32 @!p0 $0x0, s1;
	[sflag:s0] =	ssyncset.done @!p0 $0x0  }
0x5a: {  	[sflag:s0] =	ssyncadd.s32 @!p0 s1  }
0x5b: {  	[bflag:$0x3] =	sbarrier.arrive $0xFFFF  }
0x5c: {  	_ =	shalt  }
.Lfunc_end2:
execute1_lowered:
.L_overlay_start_2:
0x5d: {  	(tag) =	ssettag $0x2  }
0x5e: {  	s1 =	rddreg [dreg:$0x0]  }
0x5f: {  	s2 =	rddreg [dreg:$0x1]  }
0x60: {  	s8 =	rddreg [dreg:$0x2]  }
0x61: {  	s0 =	rddreg [dreg:$0x3];
	_ =	strace $0x80000050;
	s3 =	simm.s32 $0x1  }
0x62: {  	v1 =	vimm.s32 $0xFFFFFFFF;
	[sflag:s3] =	ssyncpa.u1 $0x0  }
0x63: {  	[tilespmem:$0x10] =	vst v1  }
0x64: {  	v0 =	vimm.f32 $0.0e+00;
	[tilespmem:$0x20] =	vst v1  }
0x65: {  	[tilespmem:$0x30] =	vst v0  }
0x66: {  	[tilespmem:$0x40] =	vst v0  }
0x67: {  	[tilespmem:$0x50] =	vst v0  }
0x68: {  	[tilespmem:$0x60] =	vst v1  }
0x69: {  	s4 =	simm.s32 $0x2;
	s5 =	simm.s32 $0x7;
	s7 =	simm.s32 $0x8;
	[tilespmem:$0x70] =	vst v1  }
0x6a: {  	s10 =	simm.s32 $0x9;
	s14 =	simm.s32 $0x0;
	s15 =	simm.s32 $0xFF;
	[tilespmem:$0x80] =	vst v1  }
0x6b: {  	p0 =	por $0x0, $0x0;
	s16 =	simm.s32 $0xFFFFC280;
	s17 =	simm.s32 $0xFFFFFFFE;
	v1 =	vimm.s32 $0x0;
	[tilespmem:$0xB0] =	vst v0  }
0x6c: {  	s18 =	simm.s32 $0xF;
	s19 =	simm.s32 $0x30;
	s22 =	simm.s32 $0x0;
	[tilespmem:$0x90] =	vst v1  }
.Ltmp8:
0x6d: {  	[tilespmem:$0xA0] =	vst v1;
	[sflag:s4] =	ssyncpa.u1 $0x0;
	s4 =	stileid.u32;
	(pc) =	sbr.rel .LBB3_1-.Ltmp8, $4  }
0x6e: {  	s20 =	simm.s32 $0x0;
	s6 =	smul.u32 $0x30D40, s4;
	[sflag:s5] =	ssyncpa.u1 $0x0  }
0x6f: {  	s8 =	sadd.s32 $0xC5400, s8;
	s12 =	sshllo.u32 s4, $0x1;
	[sflag:s7] =	ssyncpa.u1 $0x0  }
0x70: {  	vm0 =	vmmov $0xffff;
	v2 =	vlaneseq.u32;
	s9 =	sadd.s32 $0x30D40, s6;
	[sflag:s10] =	ssyncpa.u1 $0x0;
	s10 =	sshll.u32 s4, $0x1  }
0x71: {  	vm1 =	vmxor vm1, vm1;
	vm2 =	vmmov $0x1;
	vm3 =	vcmask $0x3F3C;
	s21 =	smov.u32 s6;
	s11 =	sor.u32 $0x81, s10;
	s13 =	sor.u32 $0x80, s10  }
.LBB3_10:
0x72: {  	p1 =	slt.u32 s20, $0x3  }
0x73: {  	s22 =	simm.s32 @!p1 $0x2  }
0x74: {  	_ =	swait.ge @!p1 [sflag:s22], $0x1F40  }
0x75: {  	[sflag:s22] =	ssyncset.done @!p1 $0x0  }
0x76: {  	[sflag:s22] =	ssyncadd.s32 @!p1 $0xFFFFE0C0;
	s22 =	simm.s32 @!p1 $0x9  }
0x77: {  	_ =	swait.ge @!p1 [sflag:s22], $0x10  }
0x78: {  	s23 =	sadd.s32 $0x1F40, s21;
	s24 =	smov.u32 s6;
	[sflag:s22] =	ssyncset.done @!p1 $0x0  }
0x79: {  	s20 =	sadd.s32 $0x1, s20;
	[sflag:s22] =	ssyncadd.s32 @!p1 $0xFFFFFFF0;
	p1 =	slt.s32 s23, s9  }
0x7a: {  	s24 =	smov.u32 @p1 s23;
	p1 =	sne.s32 s20, $0x1C  }
.Ltmp9:
0x7b: {  	_ = 	snop;
	(pc) =	sbr.rel @!p1 .LBB3_11-.Ltmp9, $3  }
0x7c: {  	_ =	sdelay $0x1  }
0x7d: {  	s15 =	sadd.s32 $0x1, s15;
	p0 =	por !p0, !p0;
	s16 =	sadd.s32 $0x1F40, s16  }
0x7e: {  	s17 =	sadd.s32 $0x1, s17;
	s22 =	smov.u32 s21;
	s21 =	smov.u32 s24  }
.LBB3_1:
0x7f: {  	p1 =	sgt.u32 s20, $0x18  }
0x80: {  	s23 =	smul.u32 @!p1 $0xAB, s20;
	_ =	sdelay $0x1  }
0x81: {  	s23 =	sshrl.u32 @!p1 s23, $0x9  }
0x82: {  	s23 =	sand.u32 @!p1 $0x7F, s23  }
0x83: {  	s23 =	smul.u32 @!p1 $0x3, s23;
	_ =	sdelay $0x1  }
0x84: {  	s23 =	ssub.s32 @!p1 s20, s23  }
0x85: {  	s23 =	sand.u32 @!p1 $0xFF, s23  }
0x86: {  	s23 =	smul.u32 @!p1 $0x7D00, s23;
	_ =	sdelay $0x1  }
0x87: {  	s24 =	sshrl.u32 @!p1 s21, $0x3;
	s23 =	sshrl.u32 @!p1 s23, $0x2  }
0x88: {  	s25 =	sand.u32 @!p1 $0x7, s21;
	s24 =	sadd.s32 @!p1 s2, s24;
	s23 =	sadd.s32 @!p1 $0x100, s23  }
0x89: {  	[tilespmem:s23], [sflag:$0x7] =	stream.linear.gather @!p1 [hbm4b:s24+s25], $0x1F40, $0x38;
	[tilespmem:$0x11A60] =	vst v63  }
0x8a: {  	s23 =	sadd.s32 $0xFFFFFFFF, s20  }
0x8b: {  	p1 =	sgt.u32 s23, $0x18  }
.Ltmp10:
0x8c: {  	_ = 	snop;
	(pc) =	sbr.rel @p1 .LBB3_5-.Ltmp10, $1  }
0x8d: {  	_ =	sdelay $0x3  }
0x8e: {  	s24 =	smul.u32 $0xAB, s23;
	_ =	sdelay $0x1  }
0x8f: {  	s24 =	sshrl.u32 s24, $0x9  }
0x90: {  	s24 =	sand.u32 $0x7F, s24  }
0x91: {  	s24 =	smul.u32 $0x3, s24;
	_ =	sdelay $0x1  }
0x92: {  	s24 =	ssub.s32 s23, s24  }
0x93: {  	s24 =	sand.u32 $0xFF, s24  }
0x94: {  	s24 =	smul.u32 $0x7D00, s24  }
0x95: {  	_ =	swait.ge [sflag:s5], $0x1F40  }
0x96: {  	[sflag:s5] =	ssyncset.done $0x0;
	s24 =	sshrl.u32 s24, $0x2  }
0x97: {  	[sflag:s5] =	ssyncadd.s32 $0xFFFFE0C0;
	(ifvalue) =	ssetifvalue $0xFFFFFFFF;
	v3 =	vld.msk [tilespmem:s24+$0x100 ss:$0x1], $0xffff  }
0x98: {  	s29 =	sand.u32 $0xFF, s15  }
0x99: {  	s25 =	smulhi.u32 $0x55555556, s29  }
0x9a: {  	p1 =	sne.s32 s20, $0x1  }
0x9b: {  	v4 =	vimm.s32 @!p1 $0x0;
	s25 =	smul.u32 $0x17700, s25  }
0x9c: {  	s24 =	smul.u32 $0x7D00, s29;
	v4 =	vperm.xlane @!p1 v3, v4  }
0x9d: {  	s26 =	sshll.u32 s20, $0x4;
	vm4 =	vlt.u32 v3, $0xC400  }
0x9e: {  	s30 =	sand.u32 $0x10, s26;
	s24 =	ssub.s32 s24, s25;
	v3 =	vnsel vm4, $0xFFFFFFFE, v3;
	vm4 =	vlt.u32 @!p1 v4, $0xC400  }
0x9f: {  	s24 =	sshra.s32 s24, $0x2;
	[tilespmem:s30+$0x60] =	vst v3;
	v3 =	vnsel @!p1 vm4, $0xFFFFFFFE, v4  }
0xa0: {  	s28 =	sadd.s32 $0x2030, s24;
	[tilespmem:$0x80] =	vst @!p1 v3  }
0xa1: {  	v3 =	vld.msk [tilespmem:s28+$0x0 ss:$0x1], $0xffff;
	_ =	sdelay $0x4  }
0xa2: {  	(xrf1) =	vunique.msk.u32 $0xffff, v3;
	_ =	sdelay $0xd  }
0xa3: {  	v4 =	vimm.s32 $0xFFFFFFFF;
	v5, _, _ =	vpop (xrf1)  }
0xa4: {  	vm5 =	vne.s32 v3, v4;
	vm4 =	veq.s32 v5, v2  }
0xa5: {  	vm6 =	vlt.u32 v3, $0xC400;
	vm4 =	vmand vm5, vm4  }
0xa6: {  	vm4 =	vmand vm6, vm4  }
0xa7: {  	v4 =	vnsel vm4, $0xFFFFFFFF, v3  }
0xa8: {  	s31 =	sand.u32 $0x1, s23  }
0xa9: {  	s23 =	simm.s32 $0x1F40;
	p1 =	seq.s32 s31, $0x1  }
0xaa: {  	s23 =	simm.s32 @!p1 $0x0  }
0xab: {  	s24 =	sadd.s32 $0x7DF0, s23;
	(ifvalue) =	ssetifvalue $0xFFFFFFFF  }
0xac: {  	v3 =	vperm.xlane v3, v1;
	[tilespmem:s24], [sflag:$0x8] =	stream.indirect_vreg.gather [hbm4b:s1+s14], $0x1, v4, vm0, $0x4038;
	v4 =	vnsel vm6, $0xFFFFFFFE, v4;
	[tilespmem:$0x11A60] =	vst v63  }
0xad: {  	s25 =	simm.s32 $0x0;
	s26 =	sadd.s32 $0xFFFFFFF0, s28;
	[tilespmem:s28+$0x0] =	vst v4  }
.LBB3_3:
0xae: {  	v4 =	vld.msk [tilespmem:s26+$0x0 ss:$0x1], $0xffff;
	s25 =	sadd.s32 $0x10, s25;
	v5 =	vmov v3;
	s28 =	smov.u32 s26  }
0xaf: {  	p1 =	slt.u32 s25, $0x1F30;
	_ =	sdelay $0x4  }
0xb0: {  	v3 =	vperm.xlane v4, v1;
	(xrf1) =	vunique.msk.u32 $0xffff, v4;
	_ =	sdelay $0xd  }
0xb1: {  	v6, _, _ =	vpop (xrf1)  }
0xb2: {  	vm5 =	vne.s32 v4, v5;
	vm4 =	veq.s32 v6, v2  }
0xb3: {  	vm6 =	vlt.u32 v4, $0xC400;
	vm4 =	vmand vm5, vm4  }
0xb4: {  	vm4 =	vmand vm6, vm4  }
0xb5: {  	v4 =	vnsel vm4, $0xFFFFFFFF, v4  }
.Ltmp11:
0xb6: {  	v5 =	vnsel vm6, $0xFFFFFFFE, v4;
	(pc) =	sbr.rel @p1 .LBB3_3-.Ltmp11, $3  }
0xb7: {  	_ =	sdelay $0x1  }
0xb8: {  	s26 =	sadd.s32 $0xFFFFFFF0, s26;
	s24 =	sadd.s32 $0xFFFFFFF0, s24;
	(ifvalue) =	ssetifvalue $0xFFFFFFFF  }
0xb9: {  	[tilespmem:s24], [sflag:$0x8] =	stream.indirect_vreg.gather [hbm4b:s1+s14], $0x1, v4, vm0, $0x4038;
	[tilespmem:s28+$0x0] =	vst v5  }
0xba: {  	s22 =	sshrl.u32 s22, $0x3  }
0xbb: {  	s23 =	sadd.s32 $0x9D40, s23;
	s22 =	sadd.s32 s8, s22  }
0xbc: {  	[tilespmem:s23], [sflag:$0x8] =	stream.linear.gather [hbm:s22], $0x1F40, $0x38;
	[tilespmem:$0x11A60] =	vst v63  }
.LBB3_5:
0xbd: {  	p1 =	sgt.u32 s20, $0x1B  }
.Ltmp12:
0xbe: {  	_ = 	snop;
	(pc) =	sbr.rel @p1 .LBB3_7-.Ltmp12, $1  }
0xbf: {  	_ =	sdelay $0x3  }
0xc0: {  	s22 =	sshll.u32 s3, s20  }
0xc1: {  	s22 =	sand.u32 $0x8000003, s22  }
0xc2: {  	p1 =	sne.s32 s22, $0x0  }
.Ltmp13:
0xc3: {  	_ = 	snop;
	(pc) =	sbr.rel @p1 .LBB3_10-.Ltmp13, $1  }
0xc4: {  	_ =	sdelay $0x3  }
.LBB3_7:
0xc5: {  	s22 =	sadd.s32 $0xFFFFFFFE, s20  }
0xc6: {  	s23 =	smulhi.u32 $0xAAAAAAAB, s22;
	_ =	sdelay $0x1  }
0xc7: {  	s23 =	sshrl.u32 s23, $0x1  }
0xc8: {  	s23 =	smul.u32 $0x3, s23;
	_ =	sdelay $0x1  }
0xc9: {  	s22 =	ssub.s32 s22, s23  }
0xca: {  	_ =	swait.ge [sflag:s7], $0x3E80;
	s26 =	smul.u32 $0x1F40, s22  }
0xcb: {  	p1 =	sne.s32 s20, $0x1A;
	[sflag:s7] =	ssyncset.done $0x0  }
0xcc: {  	[sflag:s7] =	ssyncadd.s32 $0xFFFFC180;
	s22 =	sadd.s32 @!p1 $0x203F, s26  }
0xcd: {  	[spmem:s11] =	stream.linear.scatter @!p1 [tilespmem:s22], [sflag:$0x1], $0x1, $0x38;
	[tilespmem:$0x11A60] =	vst v63  }
0xce: {  	s22 =	simm.s32 @!p1 $0x1  }
0xcf: {  	_ =	swait.ge @!p1 [sflag:s22], $0x1  }
0xd0: {  	s25 =	sshll.u32 s20, $0x4;
	[sflag:s22] =	ssyncset.done @!p1 $0x0  }
0xd1: {  	[sflag:s22] =	ssyncadd.s32 @!p1 $0xFFFFFFFF;
	s22 =	sand.u32 $0x10, s25  }
0xd2: {  	v4 =	vld [tilespmem:s22+$0x10];
	s28 =	sxor.u32 $0x10, s22  }
0xd3: {  	v5 =	vld [tilespmem:s28+$0x60]  }
0xd4: {  	v3 =	vld [tilespmem:$0x80];
	_ =	sdelay $0x2  }
0xd5: {  	(v2sf) =	vpush v4, $0x0  }
0xd6: {  	(v2sf) =	vpush v5, $0x0  }
0xd7: {  	(v2sf) =	vpush v3, $0x0;
	_ =	sdelay $0xc  }
0xd8: {  	s23 =	spop (v2sf)  }
0xd9: {  	s25 =	spop (v2sf)  }
0xda: {  	s24 =	spop (v2sf)  }
0xdb: {  	p2 =	seq.s32 s23, s25;
	p3 =	seq.s32 s24, s23  }
0xdc: {  	p3 =	por p2, p3  }
0xdd: {  	s23 =	sand.u32 $0x1, s20;
	v4 =	vpsel p3, $0xFFFFFFFF, v4  }
0xde: {  	s25 =	smul.u32 $0x1F40, s23;
	[tilespmem:s22+$0x10] =	vst.msk $0x1, v4  }
0xdf: {  	v4 =	vld [tilespmem:$0x30]  }
0xe0: {  	v5 =	vld [tilespmem:s25+$0x9D40]  }
0xe1: {  	v6 =	vld [tilespmem:s22+$0x40];
	_ =	sdelay $0x3  }
0xe2: {  	vm4 =	vmmov vm1;
	v5 =	vadd.f32 v5, v4  }
0xe3: {  	vm5 =	vmmov vm2;
	vm4 =	vmmov @p2 vm2;
	s23 =	sshll.u32 s23, $0x4;
	v4 =	vadd.f32 v6, v4  }
0xe4: {  	vm5 =	vmmov @p3 vm1;
	s23 =	sor.u32 $0x11A40, s23;
	[tilespmem:s25+$0x9D40] =	vst.msk vm4, v5  }
0xe5: {  	[tilespmem:s23+$0x0] =	vst.msk vm5, v4  }
0xe6: {  	v4 =	vld [tilespmem:s25+$0x7DF0];
	_ =	sdelay $0x3  }
0xe7: {  	v5 =	vimm.f32 $0.0e+00  }
0xe8: {  	v4 =	vshift.insert v4, v5, s18  }
0xe9: {  	s29 =	sor.u32 $0x40, s28  }
0xea: {  	[tilespmem:s29+$0x0] =	vst.msk $0x1, v4  }
0xeb: {  	[tilespmem:s25+$0x7DFF] =	vst.msk $0x1, v5  }
0xec: {  	v4 =	vld [tilespmem:s26+$0x2030];
	_ =	sdelay $0x1  }
0xed: {  	s29 =	smulhi.u32 $0xAAAAAAAB, s17;
	s26 =	simm.s32 $0x1  }
0xee: {  	s26 =	simm.s32 @!p0 $0x0  }
0xef: {  	s29 =	sshrl.u32 s29, $0x1;
	s26 =	smul.u32 $0x7D00, s26  }
0xf0: {  	s29 =	smul.u32 $0xFFFE8900, s29;
	v4 =	vshift.insert v4, v1, s18  }
0xf1: {  	s30 =	sshrl.u32 s26, $0x2  }
0xf2: {  	s29 =	sshra.s32 s29, $0x2;
	s26 =	sadd.s32 $0x9D40, s30;
	[tilespmem:s28+$0x10] =	vst.msk $0x1, v4  }
0xf3: {  	s31 =	sadd.s32 s29, s16;
	v6 =	vld [tilespmem:s26+$0x0]  }
0xf4: {  	v7 =	vld [tilespmem:s31+$0x0];
	_ =	sdelay $0x3  }
0xf5: {  	v5 =	vadd.f32 v6, v5  }
0xf6: {  	vm4 =	vne.s32 v7, $0xFFFFFFFF  }
0xf7: {  	(xrf2) =	vadd.seg.scan.f32 vm4, v5;
	_ =	sdelay $0x3  }
0xf8: {  	s28 =	sadd.s32 $0x5EC0, s30;
	v5 =	vperm.xlane v4, v1  }
0xf9: {  	v6 =	vld [tilespmem:s28+$0x0]  }
0xfa: {  	vm5 =	veq.s32 v7, v3;
	vm6 =	veq.s32 v7, v5  }
0xfb: {  	vm7 =	vgt.u32 v7, $0xFFFFFFFD;
	vm6 =	vmor vm6, vm5  }
0xfc: {  	vm6 =	vmor vm6, vm7  }
0xfd: {  	v9 =	vld [tilespmem:$0xA0];
	v7 =	vsel vm6, $0xFFFFFFFF, v7  }
0xfe: {  	v10 =	vld [tilespmem:$0x90];
	v6 =	vsel vm5, $0x0, v6;
	v8, _, _ =	vpop (xrf2)  }
0xff: {  	v6 =	vadd.f32 v8, v6  }
0x100: {  	s29 =	sadd.s32 $0xDBC0, s30  }
0x101: {  	vm4 =	vmand vm4, vm3;
	[tilespmem:s29+$0x0] =	vst v6;
	(ifvalue) =	ssetifvalue $0xFFFFFFFF  }
0x102: {  	vm6 =	veq.s32 v9, $0x1;
	[hbm4b:s1+s14] =	stream.indirect_vreg.scatter [tilespmem:s29], [sflag:$0x2], $0x1, v7, vm0, $0x4038;
	v7 =	vsel vm4, $0x0, v8;
	[tilespmem:$0x11A60] =	vst v63  }
0x103: {  	s30 =	simm.s32 $0x0;
	s31 =	sadd.s32 $0x10, s31;
	vm4 =	vmor vm6, vm5;
	v6 =	vsel vm5, v8, v10;
	v7 =	vshift.insert v7, v0, s18  }
.LBB3_8:
0x104: {  	v8 =	vld [tilespmem:s31+$0x0];
	s26 =	sadd.s32 $0x10, s26  }
0x105: {  	s28 =	sadd.s32 $0x10, s28;
	v9 =	vld [tilespmem:s26+$0x0]  }
0x106: {  	s30 =	sadd.s32 $0x10, s30;
	v10 =	vld [tilespmem:s28+$0x0]  }
0x107: {  	p2 =	slt.u32 s30, $0x1F30;
	_ =	sdelay $0x2  }
0x108: {  	v7 =	vadd.f32 v9, v7  }
0x109: {  	vm5 =	vne.s32 v8, $0xFFFFFFFF  }
0x10a: {  	vm6 =	vmand vm5, vm3;
	(xrf2) =	vadd.seg.scan.f32 vm5, v7;
	_ =	sdelay $0x5  }
0x10b: {  	vm7 =	veq.s32 v8, v5;
	vm5 =	veq.s32 v8, v3  }
0x10c: {  	vm8 =	vgt.u32 v8, $0xFFFFFFFD;
	vm4 =	vmor vm4, vm5;
	vm7 =	vmor vm7, vm5  }
0x10d: {  	vm7 =	vmor vm7, vm8  }
0x10e: {  	v8 =	vsel vm7, $0xFFFFFFFF, v8  }
.Ltmp14:
0x10f: {  	v7 =	vsel vm5, $0x0, v10;
	v9, _, _ =	vpop (xrf2);
	(pc) =	sbr.rel @p2 .LBB3_8-.Ltmp14, $4  }
0x110: {  	v6 =	vsel vm5, v9, v6;
	v10 =	vadd.f32 v9, v7;
	v7 =	vsel vm6, $0x0, v9  }
0x111: {  	s29 =	sadd.s32 $0x10, s29;
	v7 =	vshift.insert v7, v0, s18  }
0x112: {  	s31 =	sadd.s32 $0x10, s31;
	[tilespmem:s29+$0x0] =	vst v10;
	(ifvalue) =	ssetifvalue $0xFFFFFFFF  }
0x113: {  	[hbm4b:s1+s14] =	stream.indirect_vreg.scatter [tilespmem:s29], [sflag:$0x2], $0x1, v8, vm0, $0x4038;
	[tilespmem:$0x11A60] =	vst v63  }
0x114: {  	v3 =	vld [tilespmem:s25+$0xFAF0];
	_ =	sdelay $0x4  }
0x115: {  	v3 =	vshift.insert v3, v0, s18;
	_ =	sdelay $0x1  }
0x116: {  	[tilespmem:s19+$0x0] =	vst.msk $0x1, v3  }
0x117: {  	v3 =	vsel vm4, $0x1, v1;
	[tilespmem:$0x90] =	vst v6  }
0x118: {  	s25 =	sadd.s32 @!p1 $0xFAFF, s25;
	[tilespmem:$0xA0] =	vst v3  }
0x119: {  	[spmem:s12] =	stream.linear.scatter @!p1 [tilespmem:s25], [sflag:$0x1], $0x1, $0x38;
	[tilespmem:$0x11A60] =	vst v63  }
0x11a: {  	s25 =	simm.s32 @!p1 $0x1  }
0x11b: {  	v3 =	vmctz.xlane @!p1 vm4;
	_ =	swait.ge @!p1 [sflag:s25], $0x1  }
0x11c: {  	(v2sf) =	vpush @!p1 v4, $0x0  }
0x11d: {  	(v2sf) =	vpush @!p1 v3, $0x0;
	_ =	sdelay $0xd  }
0x11e: {  	s26 =	spop @!p1 (v2sf)  }
0x11f: {  	s28 =	spop @!p1 (v2sf)  }
0x120: {  	p2 =	sne.s32 @!p1 s24, s26;
	p3 =	slt.s32 @!p1 s28, $0xF  }
0x121: {  	[sflag:s25] =	ssyncset.done @!p1 $0x0;
	p2 =	por p2, p1;
	p3 =	por !p3, p1  }
0x122: {  	[sflag:s25] =	ssyncadd.s32 @!p1 $0xFFFFFFFF;
	v3 =	vimm.s32 @!p2 $0xFFFFFFFF;
	s28 =	simm.s32 @p3 $0xF  }
0x123: {  	[tilespmem:$0x80] =	vst @!p2 v3;
	s24 =	sadd.s32 @!p1 $0x90, s28  }
0x124: {  	[spmem:s10] =	stream.linear.scatter @!p1 [tilespmem:s24], [sflag:$0x1], $0x1, $0x38;
	[tilespmem:$0x11A60] =	vst v63  }
0x125: {  	_ =	swait.ge @!p1 [sflag:s25], $0x1  }
0x126: {  	[sflag:s25] =	ssyncset.done @!p1 $0x0  }
0x127: {  	s24 =	simm.s32 @!p1 $0x80;
	[sflag:s25] =	ssyncadd.s32 @!p1 $0xFFFFFFFF  }
0x128: {  	[spmem:s13] =	stream.linear.scatter @!p1 [tilespmem:s24], [sflag:$0x1], $0x1, $0x38;
	[tilespmem:$0x11A60] =	vst v63  }
0x129: {  	_ =	swait.ge @!p1 [sflag:s25], $0x1  }
0x12a: {  	[sflag:s25] =	ssyncset.done @!p1 $0x0  }
0x12b: {  	[sflag:s25] =	ssyncadd.s32 @!p1 $0xFFFFFFFF;
	(ifvalue) =	ssetifvalue $0xFFFFFFFF;
	v3 =	vld [tilespmem:s22+$0x10];
	_ =	sdelay $0x3  }
.Ltmp15:
0x12c: {  	_ = 	snop;
	(pc) =	sbr.rel .LBB3_10-.Ltmp15, $3  }
0x12d: {  	_ =	sdelay $0x1  }
0x12e: {  	(ifvalue) =	ssetifvalue $0xFFFFFFFF  }
0x12f: {  	[hbm4b:s1+s14] =	stream.indirect_vreg.scatter [tilespmem:s23], [sflag:$0x9], $0x1, v3, vm0, $0x4038;
	[tilespmem:$0x11A60] =	vst v63  }
.LBB3_11:
0x130: {  	_ =	sfence.sel $0x180000  }
0x131: {  	s2 =	simm.s32 $0x7;
	[bflag:$0x0] =	sbarrier.arrive $0xFFFF  }
0x132: {  	s26 =	simm.s32 $0x8;
	[sflag:s2] =	ssyncpa.u1 $0x1  }
0x133: {  	s28 =	simm.s32 $0x9;
	[sflag:s26] =	ssyncpa.u1 $0x1  }
0x134: {  	[sflag:s28] =	ssyncpa.u1 $0x1  }
0x135: {  	_ =	sfence.stream.spmem  }
0x136: {  	s29 =	simm.s32 $0x3;
	[bflag:$0x0] =	sbarrier.arrive $0xFFFF  }
0x137: {  	s30 =	simm.s32 $0x4;
	[sflag:s29] =	ssyncpa.u1 $0x1  }
0x138: {  	s31 =	simm.s32 $0x3C;
	[sflag:s30] =	ssyncpa.u1 $0x1  }
0x139: {  	p0 =	sne.s32 s4, $0x0;
	[sflag:s31] =	ssyncpa.u1 $0x1  }
0x13a: {  	s0 =	simm.s32 @p0 $0x1;
	_ =	sfence @p0  }
0x13b: {  	[sflag:s0] =	ssyncpa.u1 @p0 $0x1;
	s0 =	simm.s32 @p0 $0x2  }
0x13c: {  	[sflag:s0] =	ssyncpa.u1 @p0 $0x1  }
0x13d: {  	_ =	strace @p0 $0x90000050  }
0x13e: {  	[bflag:$0x2] =	sbarrier.arrive @p0 $0xFFFF  }
0x13f: {  	_ =	shalt @p0  }
.LBB3_12:
0x140: {  	_ =	sfence.stream.spmem;
	s4 =	simm.s32 $0x5  }
0x141: {  	s2 =	simm.s32 $0x80;
	s3 =	simm.s32 $0xC0;
	[sflag:s4] =	ssyncpa.u1 $0x0  }
0x142: {  	[tilespmem:s3], [sflag:$0x5] =	stream.linear.gather [spmem:s2], $0x20, $0x38;
	[tilespmem:$0x11A60] =	vst v63  }
0x143: {  	s2 =	simm.s32 $0x0;
	s3 =	simm.s32 $0xE0  }
0x144: {  	[tilespmem:s3], [sflag:$0x5] =	stream.linear.gather [spmem:s2], $0x20, $0x38;
	[tilespmem:$0x11A60] =	vst v63  }
.Ltmp16:
0x145: {  	_ = 	snop;
	(pc) =	sbr.rel .LBB3_13-.Ltmp16, $4  }
0x146: {  	_ =	swait.ge [sflag:s4], $0x40  }
0x147: {  	[sflag:s4] =	ssyncset.done $0x0  }
0x148: {  	s31 =	simm.s32 $0x6;
	[sflag:s4] =	ssyncadd.s32 $0xFFFFFFC0  }
0x149: {  	s4 =	simm.s32 $0x0;
	[sflag:s31] =	ssyncpa.u1 $0x0  }
.LBB3_18:
0x14a: {  	p0 =	sgt.u32 s5, $0xC3FF  }
0x14b: {  	s6 =	sshrl.u32 @!p0 s5, $0x3  }
0x14c: {  	s5 =	sand.u32 @!p0 $0x7, s5;
	s7 =	simm.s32 @!p0 $0xB0;
	s6 =	sadd.s32 @!p0 s1, s6  }
0x14d: {  	[tilespmem:s7], [sflag:$0x6] =	stream.linear.gather @!p0 [hbm4b:s6+s5], $0x1, $0x38;
	[tilespmem:$0x11A60] =	vst v63  }
0x14e: {  	s5 =	simm.s32 @!p0 $0x6  }
0x14f: {  	_ =	swait.ge @!p0 [sflag:s5], $0x1  }
0x150: {  	[sflag:s5] =	ssyncset.done @!p0 $0x0  }
0x151: {  	[sflag:s5] =	ssyncadd.s32 @!p0 $0xFFFFFFFF  }
0x152: {  	v2 =	vmov @!p0 s4;
	v1 =	vld.msk @!p0 [tilespmem:$0xB0], $0x1;
	_ =	sdelay $0x3  }
0x153: {  	s5 =	simm.s32 @!p0 $0xE0  }
0x154: {  	[tilespmem:v2+s5+$0x0], v1 =	vst.idx.ret.add.f32.msk @!p0 $0x1, v1  }
0x155: {  	[tilespmem:s2+$0xC0] =	vst.msk $0x1, v0  }
0x156: {  	v0 =	vld.msk [tilespmem:s4+$0xE0], $0x1;
	_ =	sdelay $0x4  }
0x157: {  	[tilespmem:s2+$0xE0] =	vst.msk $0x1, v0;
	s2 =	sadd.s32 $0x1, s2  }
.LBB3_20:
0x158: {  	s4 =	sadd.s32 $0x1, s4  }
0x159: {  	p0 =	sne.s32 s4, $0x20  }
.Ltmp17:
0x15a: {  	_ = 	snop;
	(pc) =	sbr.rel @!p0 .LBB3_21-.Ltmp17, $1  }
0x15b: {  	_ =	sdelay $0x3  }
.LBB3_13:
0x15c: {  	v0 =	vld.msk [tilespmem:s4+$0xC0], $0x1;
	_ =	sdelay $0x4  }
0x15d: {  	(v2sf) =	vpush v0, $0x0;
	_ =	sdelay $0xe  }
0x15e: {  	s5 =	spop (v2sf)  }
0x15f: {  	p0 =	seq.s32 s5, $0xFFFFFFFF  }
.Ltmp18:
0x160: {  	_ = 	snop;
	(pc) =	sbr.rel @p0 .LBB3_20-.Ltmp18, $1  }
0x161: {  	_ =	sdelay $0x3  }
0x162: {  	p0 =	slt.s32 s2, $0x1  }
.Ltmp19:
0x163: {  	_ = 	snop;
	(pc) =	sbr.rel @p0 .LBB3_18-.Ltmp19, $1  }
0x164: {  	_ =	sdelay $0x3  }
0x165: {  	s6 =	simm.s32 $0xC0;
	p0 =	por $0x0, $0x0  }
0x166: {  	v1 =	vld.msk @!p0 [tilespmem:s6+$0x0], $0x1;
	_ =	sdelay $0x4  }
0x167: {  	(v2sf) =	vpush @!p0 v1, $0x0;
	_ =	sdelay $0xd  }
0x168: {  	p2 =	sne.s32 s2, $0x1  }
.Ltmp20:
0x169: {  	s7 =	spop @!p0 (v2sf);
	(pc) =	sbr.rel @!p2 .LBB3_17-.Ltmp20, $4  }
0x16a: {  	p1 =	seq.s32 @!p0 s5, s7  }
0x16b: {  	s7 =	simm.s32 $0x0;
	p1 =	por !p1, p0  }
0x16c: {  	s9 =	simm.s32 $0xFFFFFFFF;
	s7 =	simm.s32 @p1 $0xFFFFFFFF  }
0x16d: {  	s8 =	simm.s32 $0x1;
	s7 =	smov.u32 @p0 s9  }
.LBB3_16:
0x16e: {  	s9 =	smov.u32 s7;
	p0 =	sne.s32 s7, $0xFFFFFFFF  }
0x16f: {  	s6 =	sadd.s32 $0x1, s6;
	s7 =	smov.u32 s8;
	s8 =	sadd.s32 $0x1, s8  }
0x170: {  	p1 =	sne.s32 s2, s8;
	v1 =	vld.msk @!p0 [tilespmem:s6+$0x0], $0x1;
	_ =	sdelay $0x4  }
0x171: {  	(v2sf) =	vpush @!p0 v1, $0x0;
	_ =	sdelay $0xe  }
.Ltmp21:
0x172: {  	s10 =	spop @!p0 (v2sf);
	(pc) =	sbr.rel @p1 .LBB3_16-.Ltmp21, $4  }
0x173: {  	p2 =	seq.s32 @!p0 s5, s10  }
0x174: {  	p2 =	por !p2, p0  }
0x175: {  	s7 =	simm.s32 @p2 $0xFFFFFFFF  }
0x176: {  	s7 =	smov.u32 @p0 s9  }
.LBB3_17:
0x177: {  	p0 =	sne.s32 s7, $0xFFFFFFFF  }
.Ltmp22:
0x178: {  	_ = 	snop;
	(pc) =	sbr.rel @!p0 .LBB3_18-.Ltmp22, $1  }
0x179: {  	_ =	sdelay $0x3  }
0x17a: {  	v0 =	vld.msk [tilespmem:s4+$0xE0], $0x1;
	v1 =	vmov s7  }
.Ltmp23:
0x17b: {  	_ = 	snop;
	(pc) =	sbr.rel .LBB3_20-.Ltmp23, $2  }
0x17c: {  	_ =	sdelay $0x2  }
0x17d: {  	[tilespmem:v1+s3+$0x0], v0 =	vst.idx.ret.add.f32.msk $0x1, v0  }
.LBB3_21:
0x17e: {  	p0 =	slt.s32 s2, $0x1  }
.Ltmp24:
0x17f: {  	_ = 	snop;
	(pc) =	sbr.rel @p0 .LBB3_25-.Ltmp24, $3  }
0x180: {  	_ =	sdelay $0x1  }
0x181: {  	s3 =	simm.s32 $0x6  }
0x182: {  	[sflag:s3] =	ssyncpa.u1 $0x1;
	s3 =	simm.s32 $0x0  }
0x183: {  	s4 =	simm.s32 $0xC0  }
0x184: {  	v0 =	vld.msk [tilespmem:s4+$0x0], $0x1;
	_ =	sdelay $0x4  }
0x185: {  	(v2sf) =	vpush v0, $0x0;
	_ =	sdelay $0xe  }
0x186: {  	s2 =	sadd.s32 $0xFFFFFFFF, s2;
	s5 =	spop (v2sf)  }
0x187: {  	p1 =	sne.s32 s2, $0x0;
	p0 =	sgt.u32 s5, $0xC3FF  }
.Ltmp25:
0x188: {  	s6 =	sshrl.u32 @!p0 s5, $0x3;
	(pc) =	sbr.rel @!p1 .LBB3_24-.Ltmp25, $4  }
0x189: {  	s4 =	simm.s32 $0xE0;
	s5 =	sand.u32 @!p0 $0x7, s5;
	s6 =	sadd.s32 @!p0 s1, s6  }
0x18a: {  	[hbm4b:s6+s5] =	stream.linear.scatter @!p0 [tilespmem:s4], [sflag:$0x5], $0x1, $0x38;
	[tilespmem:$0x11A60] =	vst v63  }
0x18b: {  	s6 =	simm.s32 $0x0  }
0x18c: {  	s5 =	simm.s32 $0xC1;
	s6 =	simm.s32 @!p0 $0x4  }
.LBB3_23:
0x18d: {  	v0 =	vld.msk [tilespmem:s5+$0x0], $0x1;
	s2 =	sadd.s32 $0xFFFFFFFF, s2;
	s3 =	sadd.s32 s3, s6  }
0x18e: {  	p0 =	sne.s32 s2, $0x0;
	_ =	sdelay $0x3  }
0x18f: {  	(v2sf) =	vpush v0, $0x0;
	_ =	sdelay $0xe  }
.Ltmp26:
0x190: {  	s7 =	spop (v2sf);
	(pc) =	sbr.rel @p0 .LBB3_23-.Ltmp26, $4  }
0x191: {  	s6 =	simm.s32 $0x0;
	p1 =	sgt.u32 s7, $0xC3FF  }
0x192: {  	s4 =	sadd.s32 $0x1, s4;
	s6 =	simm.s32 @!p1 $0x4;
	s8 =	sshrl.u32 @!p1 s7, $0x3  }
0x193: {  	s5 =	sadd.s32 $0x1, s5;
	s7 =	sand.u32 @!p1 $0x7, s7;
	s8 =	sadd.s32 @!p1 s1, s8  }
0x194: {  	[hbm4b:s8+s7] =	stream.linear.scatter @!p1 [tilespmem:s4], [sflag:$0x5], $0x1, $0x38;
	[tilespmem:$0x11A60] =	vst v63  }
.LBB3_24:
0x195: {  	s1 =	sadd.s32 s3, s6  }
0x196: {  	s3 =	sshrl.u32 s1, $0x2  }
.LBB3_25:
0x197: {  	s1 =	simm.s32 $0x5  }
0x198: {  	_ =	swait.ge [sflag:s1], s3  }
0x199: {  	s2 =	ssub.s32 $0x0, s3;
	[sflag:s1] =	ssyncset.done $0x0  }
0x19a: {  	[sflag:s1] =	ssyncadd.s32 s2  }
0x19b: {  	[sflag:s1] =	ssyncpa.u1 $0x1  }
0x19c: {  	s30 =	simm.s32 $0x1;
	_ =	sfence  }
0x19d: {  	s31 =	simm.s32 $0x2;
	[sflag:s30] =	ssyncpa.u1 $0x1  }
0x19e: {  	[sflag:s31] =	ssyncpa.u1 $0x1  }
0x19f: {  	_ =	strace $0x90000050  }
0x1a0: {  	s0 =	sadd.s32 $0x100000, s0;
	[bflag:$0x2] =	sbarrier.arrive $0xFFFF  }
0x1a1: {  	[sflag:s0] =	ssyncadd.tile.s32 $0x1;
	_ =	shalt  }
.Lfunc_end3:
_tile_overlayer_lowered:
.L_overlay_start_3:
0x1a2: {  	(tag) =	ssettag $0x3  }
0x1a3: {  	s0 =	rddreg [dreg:$0x0];
	s2 =	stileid.u32  }
0x1a4: {  	s1 =	rddreg [dreg:$0x1];
	p0 =	sne.s32 s2, $0x0  }
0x1a5: {  	s3 =	rddreg [dreg:$0x2];
	[bflag:$0x3] =	sbarrier.arrive $0xFFFF;
	s2 =	simm.s32 @!p0 $0x1C01  }
0x1a6: {  	[timem:s3], [sflag:s2] =	dma.local @!p0 [hbm:s0], s1  }
0x1a7: {  	s0 =	simm.s32 @!p0 $0x1  }
0x1a8: {  	_ =	swait.ge @!p0 [sflag:s0], s1  }
0x1a9: {  	s1 =	ssub.s32 @!p0 $0x0, s1;
	[sflag:s0] =	ssyncset.done @!p0 $0x0  }
0x1aa: {  	[sflag:s0] =	ssyncadd.s32 @!p0 s1  }
0x1ab: {  	[bflag:$0x3] =	sbarrier.arrive $0xFFFF  }
0x1ac: {  	_ =	shalt  }

// kernel: scatter_offload_async_start.2
scs
__scs_entry_jumppad:
0x0: {  	(pc) =	sbr.rel $0x88, $3  }
0x1: {  	(tag) =	ssettag $0x0;
	lr =	simm.s32 $0x1  }
0x2: {  	[smem:$0x3F9F] =	sst lr;
	_ =	strace $0xD0000000  }
0x3: {  	_ = 	snop  }
0x4: {  	_ = 	snop  }
0x5: {  	_ = 	snop  }
0x6: {  	_ = 	snop  }
0x7: {  	_ = 	snop  }
__scs_overlays_trampoline_lowered:
0x8: {  	[smem:$0x3FAE] =	sst s0  }
0x9: {  	[smem:$0x3FAF] =	sst s1  }
0xa: {  	[smem:$0x3FB0] =	sst s2  }
0xb: {  	[smem:$0x3FB1] =	sst s3  }
0xc: {  	[smem:$0x3FB2] =	sst s4  }
0xd: {  	[smem:$0x3FB3] =	sst s5  }
0xe: {  	[smem:$0x3FB4] =	sst s6  }
0xf: {  	[smem:$0x3FB5] =	sst s7  }
0x10: {  	[smem:$0x3FB6] =	sst s8  }
0x11: {  	[smem:$0x3FB7] =	sst s9;
	s0 =	simm.s32 @!p0 $0x0  }
0x12: {  	s1 =	sld [smem:$0x3F9D];
	s0 =	simm.s32 @p0 $0x1  }
0x13: {  	[smem:$0x3FB8] =	sst s0;
	s0 =	simm.s32 @!p1 $0x0  }
0x14: {  	s2 =	sld [smem:$0x3F9C];
	s0 =	simm.s32 @p1 $0x1  }
0x15: {  	[smem:$0x3FB9] =	sst s0;
	s0 =	simm.s32 @!p2 $0x0  }
0x16: {  	s3 =	sld [smem:$0x3FDB];
	s0 =	simm.s32 @p2 $0x1  }
0x17: {  	s4 =	simm.s32 $0x1BF5;
	[smem:$0x3FBB] =	sst s0  }
0x18: {  	s0 =	sld [smem:$0x3F9E];
	_ =	swait.ge [sflag:s4], $0x0  }
0x19: {  	s7 =	sld [smem:$0x3F9F]  }
0x1a: {  	s8 =	sadd.s32 $0xFFFFE003, lr  }
0x1b: {  	s9 =	sadd.s32 $0xFFFFFEF7, lr;
	s5 =	simm.s32 $0xFFFFFFFF;
	p2 =	slt.u32 s8, $0xFFFFF086  }
0x1c: {  	p1 =	slt.u32 s9, $0xF7A;
	s5 =	simm.s32 @!p2 $0x0  }
0x1d: {  	s5 =	simm.s32 @p1 $0x1;
	p0 =	seq.s32 s7, s2  }
0x1e: {  	s7 =	smul.u32 @!p0 $0xF7A, s2;
	p2 =	seq.s32 @!p0 s5, $0x0  }
0x1f: {  	s9 =	smul.u32 $0xF7A, s1;
	s8 =	simm.s32 @!p0 $0x1BF5;
	p2 =	por !p2, p0  }
0x20: {  	[sflag:s8] =	ssyncset.s32 @!p0 $0xFFFFF086;
	s6 =	sadd.s32 @!p0 s3, s7;
	s7 =	simm.s32 @!p0 $0x108  }
0x21: {  	s3 =	sadd.s32 s3, s9;
	s6 =	sadd.s32 @!p0 $0x88, s6;
	s7 =	simm.s32 @p2 $0x1082  }
0x22: {  	[simem:s7], [sflag:s8] =	dma.local @!p0 [hbm:s6], $0xF7A  }
0x23: {  	s9 =	sor.u32 $0xD0000000, s2;
	s6 =	simm.s32 $0x108;
	_ =	swait.ge @!p0 [sflag:s8], $0x0  }
0x24: {  	s3 =	sadd.s32 $0x88, s3;
	s6 =	simm.s32 @!p1 $0x1082;
	[sflag:s4] =	ssyncset.s32 $0xFFFFF086  }
0x25: {  	[simem:s6], [sflag:s4] =	dma.local [hbm:s3], $0xF7A  }
0x26: {  	[smem:$0x3F9F] =	sst s1;
	(tag) =	ssettag s2;
	_ =	strace s9  }
0x27: {  	s1 =	sld [smem:$0x3FAF]  }
0x28: {  	s2 =	sld [smem:$0x3FB0]  }
0x29: {  	s4 =	sld [smem:$0x3FB2]  }
0x2a: {  	p0 =	seq.s32 s5, $0x0;
	s5 =	sld [smem:$0x3FB3]  }
0x2b: {  	s6 =	sld [smem:$0x3FB4]  }
0x2c: {  	s7 =	sld [smem:$0x3FB5]  }
0x2d: {  	s3 =	simm.s32 $0x108;
	s8 =	sld [smem:$0x3FB6]  }
0x2e: {  	s3 =	simm.s32 @!p0 $0x1082;
	s9 =	sld [smem:$0x3FB7]  }
0x2f: {  	lr =	sadd.s32 s0, s3;
	s0 =	sld [smem:$0x3FAE]  }
0x30: {  	s3 =	sld [smem:$0x3FB1]  }
0x31: {  	[smem:$0x3FBA] =	sst s10  }
0x32: {  	s10 =	sld [smem:$0x3FB8];
	_ =	sdelay $0x3  }
0x33: {  	p0 =	seq.s32 s10, $0x1;
	s10 =	sld [smem:$0x3FBA];
	_ =	sdelay $0x3  }
0x34: {  	[smem:$0x3FBA] =	sst s10  }
0x35: {  	s10 =	sld [smem:$0x3FB9];
	_ =	sdelay $0x3  }
0x36: {  	p1 =	seq.s32 s10, $0x1;
	s10 =	sld [smem:$0x3FBA];
	_ =	sdelay $0x3  }
0x37: {  	[smem:$0x3FBA] =	sst s10  }
0x38: {  	s10 =	sld [smem:$0x3FBB]  }
0x39: {  	_ = 	snop;
	(pc) =	sbr.ind lr, $3  }
0x3a: {  	_ = 	snop  }
0x3b: {  	_ = 	snop  }
0x3c: {  	p2 =	seq.s32 s10, $0x1;
	s10 =	sld [smem:$0x3FBA]  }
0x3d: {  	_ =	shalt  }
0x3e: {  	_ =	shalt  }
0x3f: {  	_ =	shalt  }
0x40: {  	_ =	shalt  }
0x41: {  	_ =	shalt  }
0x42: {  	_ =	shalt  }
0x43: {  	_ =	shalt  }
0x44: {  	_ =	shalt  }
0x45: {  	_ =	shalt  }
0x46: {  	_ =	shalt  }
0x47: {  	_ =	shalt  }
0x48: {  	_ =	shalt  }
0x49: {  	_ =	shalt  }
0x4a: {  	_ =	shalt  }
0x4b: {  	_ =	shalt  }
0x4c: {  	_ =	shalt  }
0x4d: {  	_ =	shalt  }
0x4e: {  	_ =	shalt  }
0x4f: {  	_ =	shalt  }
0x50: {  	_ =	shalt  }
0x51: {  	_ =	shalt  }
0x52: {  	_ =	shalt  }
0x53: {  	_ =	shalt  }
0x54: {  	_ =	shalt  }
0x55: {  	_ =	shalt  }
0x56: {  	_ =	shalt  }
0x57: {  	_ =	shalt  }
0x58: {  	_ =	shalt  }
0x59: {  	_ =	shalt  }
0x5a: {  	_ =	shalt  }
0x5b: {  	_ =	shalt  }
0x5c: {  	_ =	shalt  }
0x5d: {  	_ =	shalt  }
0x5e: {  	_ =	shalt  }
0x5f: {  	_ =	shalt  }
0x60: {  	_ =	shalt  }
0x61: {  	_ =	shalt  }
0x62: {  	_ =	shalt  }
0x63: {  	_ =	shalt  }
0x64: {  	_ =	shalt  }
0x65: {  	_ =	shalt  }
0x66: {  	_ =	shalt  }
0x67: {  	_ =	shalt  }
0x68: {  	_ =	shalt  }
0x69: {  	_ =	shalt  }
0x6a: {  	_ =	shalt  }
0x6b: {  	_ =	shalt  }
0x6c: {  	_ =	shalt  }
0x6d: {  	_ =	shalt  }
0x6e: {  	_ =	shalt  }
0x6f: {  	_ =	shalt  }
0x70: {  	_ =	shalt  }
0x71: {  	_ =	shalt  }
0x72: {  	_ =	shalt  }
0x73: {  	_ =	shalt  }
0x74: {  	_ =	shalt  }
0x75: {  	_ =	shalt  }
0x76: {  	_ =	shalt  }
0x77: {  	_ =	shalt  }
0x78: {  	_ =	shalt  }
0x79: {  	_ =	shalt  }
0x7a: {  	_ =	shalt  }
0x7b: {  	_ =	shalt  }
0x7c: {  	_ =	shalt  }
0x7d: {  	_ =	shalt  }
0x7e: {  	_ =	shalt  }
0x7f: {  	_ =	shalt  }
0x80: {  	_ =	shalt  }
0x81: {  	_ =	shalt  }
0x82: {  	_ =	shalt  }
0x83: {  	_ =	shalt  }
0x84: {  	_ =	shalt  }
0x85: {  	_ =	shalt  }
0x86: {  	_ =	shalt  }
0x87: {  	_ =	shalt  }
.Lfunc_end0:
.L_simem_size_0:
called_computation.2_lowered:
.L_overlay_start_0:
0x88: {  	s2 =	sld [smem:$0x3FD9]  }
0x89: {  	s3 =	sld [smem:$0x3FFE];
	_ =	sdelay $0x1  }
0x8a: {  	s1 =	srdreg.scid  }
0x8b: {  	s0 =	sand.u32 $0x1, s1  }
0x8c: {  	s15 =	sshll.u32 s0, $0xA;
	s2 =	sadd.s32 s3, s2  }
0x8d: {  	s2 =	sadd.s32 s2, s15  }
0x8e: {  	[smem:$0x3FC6] =	sst s2  }
0x8f: {  	_ = 	snop  }
0x90: {  	(tm) =	ssettm $0x1  }
0x91: {  	s16 =	sld [smem:$0x3FFB];
	_ =	sdelay $0x3  }
0x92: {  	_ =	strace s16  }
0x93: {  	s2 =	sld [smem:$0x3FFC];
	_ =	sdelay $0x3  }
0x94: {  	_ =	strace s2  }
0x95: {  	s2 =	sld [smem:$0x3FFD];
	_ =	sdelay $0x3  }
0x96: {  	_ =	strace s2  }
0x97: {  	_ =	strace $0x8FFFFFFF  }
0x98: {  	s17 =	sld [smem:$0x3FDB];
	_ =	sdelay $0x1  }
0x99: {  	s18 =	simm.s32 $_scs_section_size  }
0x9a: {  	s4 =	simm.s32 $_size__tile_overlayer_lowered;
	s5 =	simm.s32 $_tile_overlayer_lowered  }
0x9b: {  	s21 =	simm.s32 $0x1BFF;
	s20 =	sshll.u32 s5, $0x1;
	s2 =	sadd.s32 s18, s17  }
0x9c: {  	s6 =	simm.s32 $0x0;
	s19 =	sshll.u32 s4, $0x1;
	s4 =	sadd.s32 s20, s2  }
0x9d: {  	[timem:s6], [sflag:s21] =	dma.local [hbm:s4], s19  }
0x9e: {  	_ =	swait.ge [sflag:s21], s19  }
0x9f: {  	s3 =	ssub.s32 $0x0, s19;
	[sflag:s21] =	ssyncset.done $0x0  }
0xa0: {  	[sflag:s21] =	ssyncadd.s32 s3;
	_ =	sdelay $0x1  }
0xa1: {  	s22 =	simm.s32 $0x1B8B  }
0xa2: {  	_ =	swait.ge [sflag:s22], $0x1  }
0xa3: {  	[sflag:s22] =	ssyncset.done $0x0  }
0xa4: {  	s23 =	sld [smem:$0x3FFE];
	[sflag:s22] =	ssyncadd.s32 $0xFFFFFFFF  }
0xa5: {  	s25 =	simm.s32 $0x1B8E;
	s24 =	sld [smem:$0x0]  }
0xa6: {  	s26 =	simm.s32 $execute0_lowered;
	[smem:$0x3FD2] =	sst s25  }
0xa7: {  	s5 =	sshll.u32 s26, $0x1;
	_ =	strace $0x80000052;
	[dreg:$0x1] =	wrdreg $0xFFFFFFFF  }
0xa8: {  	s28 =	simm.s32 $_size_execute0_lowered;
	s2 =	sadd.s32 s2, s5;
	[dreg:$0x0] =	wrdreg $0x0  }
0xa9: {  	s5 =	sshll.u32 s28, $0x1;
	[dreg:$0x2] =	wrdreg s2  }
0xaa: {  	[dreg:$0x3] =	wrdreg s5  }
0xab: {  	[dreg:$0x4] =	wrdreg $0xC0  }
0xac: {  	_ =	task [dreg:s6], $0x5FFFF  }
0xad: {  	[dreg:$0x1] =	wrdreg $0xFFFFFFFF  }
0xae: {  	[dreg:$0x0] =	wrdreg $0x60  }
0xaf: {  	[dreg:$0x2] =	wrdreg s23  }
0xb0: {  	[dreg:$0x3] =	wrdreg s1  }
0xb1: {  	[dreg:$0x4] =	wrdreg s24  }
0xb2: {  	[dreg:$0x5] =	wrdreg $0x9  }
0xb3: {  	_ =	task.clear_ibuf [dreg:s6], $0x6FFFF;
	_ =	strace $0x90000052  }
0xb4: {  	s29 =	simm.s32 $0x9;
	_ =	strace $0x80000054  }
0xb5: {  	_ =	swait.ge [sflag:s29], $0x1  }
0xb6: {  	[sflag:s29] =	ssyncadd.s32 $0xFFFFFFFF  }
0xb7: {  	_ =	strace $0x90000054  }
0xb8: {  	_ =	sfence  }
0xb9: {  	s30 =	sld [smem:$0x0];
	_ =	sdelay $0x2  }
0xba: {  	s31 =	sshll.u32 s1, $0xD;
	s1 =	sshrl.u32 s1, $0x2  }
0xbb: {  	s3 =	sand.u32 $0x4000, s31;
	s1 =	sadd.s32 s1, s30  }
0xbc: {  	s0 =	sor.u32 s3, s0;
	s1 =	sshll.u32 s1, $0x11  }
0xbd: {  	s0 =	sor.u32 s1, s0  }
0xbe: {  	s0 =	sadd.s32 $0x8F2B, s0  }
0xbf: {  	[sflag:s0] =	ssyncadd.remote.s32 $0x1  }
0xc0: {  	_ =	sfence.sel $0xFFFF  }
0xc1: {  	[dreg:$0x0] =	wrdreg $0xFFFFFFFF;
	(pc) =	sbr.abs _section_cstart, $3  }
0xc2: {  	[dreg:$0x1] =	wrdreg $0xFFFFFFFF  }
0xc3: {  	_ =	task.clear_ibuf [dreg:s6], $0x2FFFF;
	_ =	strace $0x9FFFFFFF  }
0xc4: {  	(tm) =	ssettm $0x7FFFFFFF  }
0xc5: {  	_ =	shalt  }
tec
execute0_lowered:
.L_overlay_start_1:
0x0: {  	(tag) =	ssettag $0x1  }
0x1: {  	s12 =	rddreg [dreg:$0x0]  }
0x2: {  	s2 =	rddreg [dreg:$0x1];
	_ =	strace $0x80000053;
	s13 =	simm.s32 $0x1  }
0x3: {  	v0 =	vimm.s32 $0x0;
	[sflag:s13] =	ssyncpa.u1 $0x0  }
0x4: {  	[tilespmem:$0x28] =	vst v0  }
0x5: {  	[tilespmem:$0x38] =	vst v0  }
0x6: {  	[tilespmem:$0x48] =	vst v0  }
0x7: {  	[tilespmem:$0x58] =	vst v0  }
0x8: {  	[tilespmem:$0x68] =	vst v0  }
0x9: {  	[tilespmem:$0x78] =	vst v0  }
0xa: {  	[tilespmem:$0x88] =	vst v0  }
0xb: {  	[tilespmem:$0x98] =	vst v0  }
0xc: {  	[tilespmem:$0xA8] =	vst v0  }
0xd: {  	[tilespmem:$0xB8] =	vst v0  }
0xe: {  	[tilespmem:$0xC8] =	vst v0  }
0xf: {  	[tilespmem:$0xD8] =	vst v0  }
0x10: {  	[tilespmem:$0xE8] =	vst v0  }
0x11: {  	[tilespmem:$0xF8] =	vst v0  }
0x12: {  	[tilespmem:$0x108] =	vst v0  }
0x13: {  	[tilespmem:$0x118] =	vst v0  }
0x14: {  	[tilespmem:$0x128] =	vst v0  }
0x15: {  	[tilespmem:$0x138] =	vst v0  }
0x16: {  	[tilespmem:$0x148] =	vst v0  }
0x17: {  	[tilespmem:$0x158] =	vst v0  }
0x18: {  	[tilespmem:$0x168] =	vst v0  }
0x19: {  	[tilespmem:$0x178] =	vst v0  }
0x1a: {  	[tilespmem:$0x188] =	vst v0  }
0x1b: {  	[tilespmem:$0x198] =	vst v0  }
0x1c: {  	[tilespmem:$0x1A8] =	vst v0  }
0x1d: {  	[tilespmem:$0x1B8] =	vst v0  }
0x1e: {  	[tilespmem:$0x1C8] =	vst v0  }
0x1f: {  	[tilespmem:$0x1D8] =	vst v0  }
0x20: {  	[tilespmem:$0x1E8] =	vst v0  }
0x21: {  	[tilespmem:$0x1F8] =	vst v0  }
0x22: {  	[tilespmem:$0x208] =	vst v0  }
0x23: {  	[tilespmem:$0x218] =	vst v0  }
0x24: {  	[tilespmem:$0x228] =	vst v0  }
0x25: {  	[tilespmem:$0x238] =	vst v0  }
0x26: {  	[tilespmem:$0x248] =	vst v0  }
0x27: {  	[tilespmem:$0x258] =	vst v0  }
0x28: {  	[tilespmem:$0x268] =	vst v0  }
0x29: {  	[tilespmem:$0x278] =	vst v0  }
0x2a: {  	[tilespmem:$0x288] =	vst v0  }
0x2b: {  	[tilespmem:$0x298] =	vst v0  }
0x2c: {  	[tilespmem:$0x2A8] =	vst v0  }
0x2d: {  	[tilespmem:$0x2B8] =	vst v0  }
0x2e: {  	[tilespmem:$0x2C8] =	vst v0  }
0x2f: {  	[tilespmem:$0x2D8] =	vst v0  }
0x30: {  	[tilespmem:$0x2E8] =	vst v0  }
0x31: {  	[tilespmem:$0x2F8] =	vst v0  }
0x32: {  	[tilespmem:$0x308] =	vst v0  }
0x33: {  	[tilespmem:$0x318] =	vst v0  }
0x34: {  	[tilespmem:$0x328] =	vst v0  }
0x35: {  	[tilespmem:$0x338] =	vst v0  }
0x36: {  	[tilespmem:$0x348] =	vst v0  }
0x37: {  	[tilespmem:$0x358] =	vst v0  }
0x38: {  	[tilespmem:$0x368] =	vst v0  }
0x39: {  	[tilespmem:$0x378] =	vst v0  }
0x3a: {  	[tilespmem:$0x388] =	vst v0  }
0x3b: {  	[tilespmem:$0x398] =	vst v0  }
0x3c: {  	[tilespmem:$0x3A8] =	vst v0  }
0x3d: {  	[tilespmem:$0x3B8] =	vst v0  }
0x3e: {  	[tilespmem:$0x3C8] =	vst v0  }
0x3f: {  	[tilespmem:$0x3D8] =	vst v0  }
0x40: {  	[tilespmem:$0x3E8] =	vst v0  }
0x41: {  	[tilespmem:$0x3F8] =	vst v0  }
0x42: {  	[tilespmem:$0x408] =	vst v0  }
0x43: {  	[tilespmem:$0x418] =	vst v0  }
0x44: {  	[tilespmem:$0x428] =	vst v0  }
0x45: {  	[tilespmem:$0x438] =	vst v0  }
0x46: {  	[tilespmem:$0x448] =	vst v0  }
0x47: {  	[tilespmem:$0x458] =	vst v0  }
0x48: {  	[tilespmem:$0x468] =	vst v0  }
0x49: {  	[tilespmem:$0x478] =	vst v0  }
0x4a: {  	[tilespmem:$0x488] =	vst v0  }
0x4b: {  	[tilespmem:$0x498] =	vst v0  }
0x4c: {  	[tilespmem:$0x4A8] =	vst v0  }
0x4d: {  	[tilespmem:$0x4B8] =	vst v0  }
0x4e: {  	[tilespmem:$0x4C8] =	vst v0  }
0x4f: {  	[tilespmem:$0x4D8] =	vst v0  }
0x50: {  	[tilespmem:$0x4E8] =	vst v0  }
0x51: {  	[tilespmem:$0x4F8] =	vst v0  }
0x52: {  	[tilespmem:$0x508] =	vst v0  }
0x53: {  	[tilespmem:$0x518] =	vst v0  }
0x54: {  	[tilespmem:$0x528] =	vst v0  }
0x55: {  	[tilespmem:$0x538] =	vst v0  }
0x56: {  	[tilespmem:$0x548] =	vst v0  }
0x57: {  	[tilespmem:$0x558] =	vst v0  }
0x58: {  	[tilespmem:$0x568] =	vst v0  }
0x59: {  	[tilespmem:$0x578] =	vst v0  }
0x5a: {  	[tilespmem:$0x588] =	vst v0  }
0x5b: {  	[tilespmem:$0x598] =	vst v0  }
0x5c: {  	[tilespmem:$0x5A8] =	vst v0  }
0x5d: {  	[tilespmem:$0x5B8] =	vst v0  }
0x5e: {  	[tilespmem:$0x5C8] =	vst v0  }
0x5f: {  	[tilespmem:$0x5D8] =	vst v0  }
0x60: {  	[tilespmem:$0x5E8] =	vst v0  }
0x61: {  	[tilespmem:$0x5F8] =	vst v0  }
0x62: {  	[tilespmem:$0x608] =	vst v0  }
0x63: {  	[tilespmem:$0x618] =	vst v0  }
0x64: {  	[tilespmem:$0x628] =	vst v0  }
0x65: {  	[tilespmem:$0x638] =	vst v0  }
0x66: {  	[tilespmem:$0x648] =	vst v0  }
0x67: {  	[tilespmem:$0x658] =	vst v0  }
0x68: {  	[tilespmem:$0x668] =	vst v0  }
0x69: {  	[tilespmem:$0x678] =	vst v0  }
0x6a: {  	[tilespmem:$0x688] =	vst v0  }
0x6b: {  	[tilespmem:$0x698] =	vst v0  }
0x6c: {  	[tilespmem:$0x6A8] =	vst v0  }
0x6d: {  	[tilespmem:$0x6B8] =	vst v0  }
0x6e: {  	[tilespmem:$0x6C8] =	vst v0  }
0x6f: {  	[tilespmem:$0x6D8] =	vst v0  }
0x70: {  	[tilespmem:$0x6E8] =	vst v0  }
0x71: {  	[tilespmem:$0x6F8] =	vst v0  }
0x72: {  	[tilespmem:$0x708] =	vst v0  }
0x73: {  	[tilespmem:$0x718] =	vst v0  }
0x74: {  	[tilespmem:$0x728] =	vst v0  }
0x75: {  	[tilespmem:$0x738] =	vst v0  }
0x76: {  	[tilespmem:$0x748] =	vst v0  }
0x77: {  	[tilespmem:$0x758] =	vst v0  }
0x78: {  	[tilespmem:$0x768] =	vst v0  }
0x79: {  	[tilespmem:$0x778] =	vst v0  }
0x7a: {  	[tilespmem:$0x788] =	vst v0  }
0x7b: {  	[tilespmem:$0x798] =	vst v0  }
0x7c: {  	[tilespmem:$0x7A8] =	vst v0  }
0x7d: {  	[tilespmem:$0x7B8] =	vst v0  }
0x7e: {  	[tilespmem:$0x7C8] =	vst v0  }
0x7f: {  	[tilespmem:$0x7D8] =	vst v0  }
0x80: {  	[tilespmem:$0x7E8] =	vst v0  }
0x81: {  	[tilespmem:$0x7F8] =	vst v0  }
0x82: {  	[tilespmem:$0x808] =	vst v0  }
0x83: {  	[tilespmem:$0x818] =	vst v0  }
0x84: {  	[tilespmem:$0x828] =	vst v0  }
0x85: {  	[tilespmem:$0x838] =	vst v0  }
0x86: {  	[tilespmem:$0x848] =	vst v0  }
0x87: {  	[tilespmem:$0x858] =	vst v0  }
0x88: {  	[tilespmem:$0x868] =	vst v0  }
0x89: {  	[tilespmem:$0x878] =	vst v0  }
0x8a: {  	[tilespmem:$0x888] =	vst v0  }
0x8b: {  	[tilespmem:$0x898] =	vst v0  }
0x8c: {  	[tilespmem:$0x8A8] =	vst v0  }
0x8d: {  	[tilespmem:$0x8B8] =	vst v0  }
0x8e: {  	[tilespmem:$0x8C8] =	vst v0  }
0x8f: {  	[tilespmem:$0x8D8] =	vst v0  }
0x90: {  	[tilespmem:$0x8E8] =	vst v0  }
0x91: {  	[tilespmem:$0x8F8] =	vst v0  }
0x92: {  	[tilespmem:$0x908] =	vst v0  }
0x93: {  	[tilespmem:$0x918] =	vst v0  }
0x94: {  	[tilespmem:$0x928] =	vst v0  }
0x95: {  	[tilespmem:$0x938] =	vst v0  }
0x96: {  	[tilespmem:$0x948] =	vst v0  }
0x97: {  	[tilespmem:$0x958] =	vst v0  }
0x98: {  	[tilespmem:$0x968] =	vst v0  }
0x99: {  	[tilespmem:$0x978] =	vst v0  }
0x9a: {  	[tilespmem:$0x988] =	vst v0  }
0x9b: {  	[tilespmem:$0x998] =	vst v0  }
0x9c: {  	[tilespmem:$0x9A8] =	vst v0  }
0x9d: {  	[tilespmem:$0x9B8] =	vst v0  }
0x9e: {  	[tilespmem:$0x9C8] =	vst v0  }
0x9f: {  	[tilespmem:$0x9D8] =	vst v0  }
0xa0: {  	[tilespmem:$0x9E8] =	vst v0  }
0xa1: {  	[tilespmem:$0x9F8] =	vst v0  }
0xa2: {  	[tilespmem:$0xA08] =	vst v0  }
0xa3: {  	[tilespmem:$0xA18] =	vst v0  }
0xa4: {  	[tilespmem:$0xA28] =	vst v0  }
0xa5: {  	[tilespmem:$0xA38] =	vst v0  }
0xa6: {  	[tilespmem:$0xA48] =	vst v0  }
0xa7: {  	[tilespmem:$0xA58] =	vst v0  }
0xa8: {  	[tilespmem:$0xA68] =	vst v0  }
0xa9: {  	[tilespmem:$0xA78] =	vst v0  }
0xaa: {  	[tilespmem:$0xA88] =	vst v0  }
0xab: {  	[tilespmem:$0xA98] =	vst v0  }
0xac: {  	[tilespmem:$0xAA8] =	vst v0  }
0xad: {  	[tilespmem:$0xAB8] =	vst v0  }
0xae: {  	[tilespmem:$0xAC8] =	vst v0  }
0xaf: {  	[tilespmem:$0xAD8] =	vst v0  }
0xb0: {  	[tilespmem:$0xAE8] =	vst v0  }
0xb1: {  	[tilespmem:$0xAF8] =	vst v0  }
0xb2: {  	[tilespmem:$0xB08] =	vst v0  }
0xb3: {  	[tilespmem:$0xB18] =	vst v0  }
0xb4: {  	[tilespmem:$0xB28] =	vst v0  }
0xb5: {  	[tilespmem:$0xB38] =	vst v0  }
0xb6: {  	[tilespmem:$0xB48] =	vst v0  }
0xb7: {  	[tilespmem:$0xB58] =	vst v0  }
0xb8: {  	[tilespmem:$0xB68] =	vst v0  }
0xb9: {  	[tilespmem:$0xB78] =	vst v0  }
0xba: {  	[tilespmem:$0xB88] =	vst v0  }
0xbb: {  	[tilespmem:$0xB98] =	vst v0  }
0xbc: {  	[tilespmem:$0xBA8] =	vst v0  }
0xbd: {  	[tilespmem:$0xBB8] =	vst v0  }
0xbe: {  	[tilespmem:$0xBC8] =	vst v0  }
0xbf: {  	[tilespmem:$0xBD8] =	vst v0  }
0xc0: {  	[tilespmem:$0xBE8] =	vst v0  }
0xc1: {  	[tilespmem:$0xBF8] =	vst v0  }
0xc2: {  	[tilespmem:$0xC08] =	vst v0  }
0xc3: {  	[tilespmem:$0xC18] =	vst v0  }
0xc4: {  	[tilespmem:$0xC28] =	vst v0  }
0xc5: {  	[tilespmem:$0xC38] =	vst v0  }
0xc6: {  	[tilespmem:$0xC48] =	vst v0  }
0xc7: {  	[tilespmem:$0xC58] =	vst v0  }
0xc8: {  	[tilespmem:$0xC68] =	vst v0  }
0xc9: {  	[tilespmem:$0xC78] =	vst v0  }
0xca: {  	[tilespmem:$0xC88] =	vst v0  }
0xcb: {  	[tilespmem:$0xC98] =	vst v0  }
0xcc: {  	[tilespmem:$0xCA8] =	vst v0  }
0xcd: {  	[tilespmem:$0xCB8] =	vst v0  }
0xce: {  	[tilespmem:$0xCC8] =	vst v0  }
0xcf: {  	[tilespmem:$0xCD8] =	vst v0  }
0xd0: {  	[tilespmem:$0xCE8] =	vst v0  }
0xd1: {  	[tilespmem:$0xCF8] =	vst v0  }
0xd2: {  	[tilespmem:$0xD08] =	vst v0  }
0xd3: {  	[tilespmem:$0xD18] =	vst v0  }
0xd4: {  	[tilespmem:$0xD28] =	vst v0  }
0xd5: {  	[tilespmem:$0xD38] =	vst v0  }
0xd6: {  	[tilespmem:$0xD48] =	vst v0  }
0xd7: {  	[tilespmem:$0xD58] =	vst v0  }
0xd8: {  	[tilespmem:$0xD68] =	vst v0  }
0xd9: {  	[tilespmem:$0xD78] =	vst v0  }
0xda: {  	[tilespmem:$0xD88] =	vst v0  }
0xdb: {  	[tilespmem:$0xD98] =	vst v0  }
0xdc: {  	[tilespmem:$0xDA8] =	vst v0  }
0xdd: {  	[tilespmem:$0xDB8] =	vst v0  }
0xde: {  	[tilespmem:$0xDC8] =	vst v0  }
0xdf: {  	[tilespmem:$0xDD8] =	vst v0  }
0xe0: {  	[tilespmem:$0xDE8] =	vst v0  }
0xe1: {  	[tilespmem:$0xDF8] =	vst v0  }
0xe2: {  	[tilespmem:$0xE08] =	vst v0  }
0xe3: {  	[tilespmem:$0xE18] =	vst v0  }
0xe4: {  	[tilespmem:$0xE28] =	vst v0  }
0xe5: {  	[tilespmem:$0xE38] =	vst v0  }
0xe6: {  	[tilespmem:$0xE48] =	vst v0  }
0xe7: {  	[tilespmem:$0xE58] =	vst v0  }
0xe8: {  	[tilespmem:$0xE68] =	vst v0  }
0xe9: {  	[tilespmem:$0xE78] =	vst v0  }
0xea: {  	[tilespmem:$0xE88] =	vst v0  }
0xeb: {  	[tilespmem:$0xE98] =	vst v0  }
0xec: {  	[tilespmem:$0xEA8] =	vst v0  }
0xed: {  	[tilespmem:$0xEB8] =	vst v0  }
0xee: {  	[tilespmem:$0xEC8] =	vst v0  }
0xef: {  	[tilespmem:$0xED8] =	vst v0  }
0xf0: {  	[tilespmem:$0xEE8] =	vst v0  }
0xf1: {  	[tilespmem:$0xEF8] =	vst v0  }
0xf2: {  	[tilespmem:$0xF08] =	vst v0  }
0xf3: {  	[tilespmem:$0xF18] =	vst v0  }
0xf4: {  	[tilespmem:$0xF28] =	vst v0  }
0xf5: {  	[tilespmem:$0xF38] =	vst v0  }
0xf6: {  	[tilespmem:$0xF48] =	vst v0  }
0xf7: {  	[tilespmem:$0xF58] =	vst v0  }
0xf8: {  	[tilespmem:$0xF68] =	vst v0  }
0xf9: {  	[tilespmem:$0xF78] =	vst v0  }
0xfa: {  	[tilespmem:$0xF88] =	vst v0  }
0xfb: {  	[tilespmem:$0xF98] =	vst v0  }
0xfc: {  	[tilespmem:$0xFA8] =	vst v0  }
0xfd: {  	[tilespmem:$0xFB8] =	vst v0  }
0xfe: {  	[tilespmem:$0xFC8] =	vst v0  }
0xff: {  	[tilespmem:$0xFD8] =	vst v0  }
0x100: {  	[tilespmem:$0xFE8] =	vst v0  }
0x101: {  	[tilespmem:$0xFF8] =	vst v0  }
0x102: {  	[tilespmem:$0x1018] =	vst v0  }
0x103: {  	[tilespmem:$0x10C8] =	vst v0  }
0x104: {  	[tilespmem:$0x1B28] =	vst v0  }
0x105: {  	[tilespmem:$0x1B18] =	vst v0  }
0x106: {  	[tilespmem:$0x1B08] =	vst v0  }
0x107: {  	[tilespmem:$0x1AF8] =	vst v0  }
0x108: {  	[tilespmem:$0x1AE8] =	vst v0  }
0x109: {  	[tilespmem:$0x1AD8] =	vst v0  }
0x10a: {  	[tilespmem:$0x1AC8] =	vst v0  }
0x10b: {  	[tilespmem:$0x1AB8] =	vst v0  }
0x10c: {  	[tilespmem:$0x1AA8] =	vst v0  }
0x10d: {  	[tilespmem:$0x1A98] =	vst v0  }
0x10e: {  	[tilespmem:$0x1A88] =	vst v0  }
0x10f: {  	[tilespmem:$0x1A78] =	vst v0  }
0x110: {  	[tilespmem:$0x1A68] =	vst v0  }
0x111: {  	[tilespmem:$0x1A58] =	vst v0  }
0x112: {  	[tilespmem:$0x1A48] =	vst v0  }
0x113: {  	[tilespmem:$0x1A38] =	vst v0  }
0x114: {  	[tilespmem:$0x1A28] =	vst v0  }
0x115: {  	[tilespmem:$0x1A18] =	vst v0  }
0x116: {  	[tilespmem:$0x1A08] =	vst v0  }
0x117: {  	[tilespmem:$0x19F8] =	vst v0  }
0x118: {  	[tilespmem:$0x19E8] =	vst v0  }
0x119: {  	[tilespmem:$0x19D8] =	vst v0  }
0x11a: {  	[tilespmem:$0x19C8] =	vst v0  }
0x11b: {  	[tilespmem:$0x19B8] =	vst v0  }
0x11c: {  	[tilespmem:$0x19A8] =	vst v0  }
0x11d: {  	[tilespmem:$0x1998] =	vst v0  }
0x11e: {  	[tilespmem:$0x1988] =	vst v0  }
0x11f: {  	[tilespmem:$0x1978] =	vst v0  }
0x120: {  	[tilespmem:$0x1968] =	vst v0  }
0x121: {  	[tilespmem:$0x1958] =	vst v0  }
0x122: {  	[tilespmem:$0x1948] =	vst v0  }
0x123: {  	[tilespmem:$0x1938] =	vst v0  }
0x124: {  	[tilespmem:$0x1928] =	vst v0  }
0x125: {  	[tilespmem:$0x1918] =	vst v0  }
0x126: {  	[tilespmem:$0x1908] =	vst v0  }
0x127: {  	[tilespmem:$0x18F8] =	vst v0  }
0x128: {  	[tilespmem:$0x18E8] =	vst v0  }
0x129: {  	[tilespmem:$0x18D8] =	vst v0  }
0x12a: {  	[tilespmem:$0x18C8] =	vst v0  }
0x12b: {  	[tilespmem:$0x18B8] =	vst v0  }
0x12c: {  	[tilespmem:$0x18A8] =	vst v0  }
0x12d: {  	[tilespmem:$0x1898] =	vst v0  }
0x12e: {  	[tilespmem:$0x1888] =	vst v0  }
0x12f: {  	[tilespmem:$0x1878] =	vst v0  }
0x130: {  	[tilespmem:$0x1868] =	vst v0  }
0x131: {  	[tilespmem:$0x1858] =	vst v0  }
0x132: {  	[tilespmem:$0x1848] =	vst v0  }
0x133: {  	[tilespmem:$0x1838] =	vst v0  }
0x134: {  	[tilespmem:$0x1828] =	vst v0  }
0x135: {  	[tilespmem:$0x1818] =	vst v0  }
0x136: {  	[tilespmem:$0x1808] =	vst v0  }
0x137: {  	[tilespmem:$0x17F8] =	vst v0  }
0x138: {  	[tilespmem:$0x17E8] =	vst v0  }
0x139: {  	[tilespmem:$0x17D8] =	vst v0  }
0x13a: {  	[tilespmem:$0x17C8] =	vst v0  }
0x13b: {  	[tilespmem:$0x17B8] =	vst v0  }
0x13c: {  	[tilespmem:$0x17A8] =	vst v0  }
0x13d: {  	[tilespmem:$0x1798] =	vst v0  }
0x13e: {  	[tilespmem:$0x1788] =	vst v0  }
0x13f: {  	[tilespmem:$0x1778] =	vst v0  }
0x140: {  	[tilespmem:$0x1768] =	vst v0  }
0x141: {  	[tilespmem:$0x1758] =	vst v0  }
0x142: {  	[tilespmem:$0x1748] =	vst v0  }
0x143: {  	[tilespmem:$0x1738] =	vst v0  }
0x144: {  	[tilespmem:$0x1728] =	vst v0  }
0x145: {  	[tilespmem:$0x1718] =	vst v0  }
0x146: {  	[tilespmem:$0x1708] =	vst v0  }
0x147: {  	[tilespmem:$0x16F8] =	vst v0  }
0x148: {  	[tilespmem:$0x16E8] =	vst v0  }
0x149: {  	[tilespmem:$0x16D8] =	vst v0  }
0x14a: {  	[tilespmem:$0x16C8] =	vst v0  }
0x14b: {  	[tilespmem:$0x16B8] =	vst v0  }
0x14c: {  	[tilespmem:$0x16A8] =	vst v0  }
0x14d: {  	[tilespmem:$0x1698] =	vst v0  }
0x14e: {  	[tilespmem:$0x1688] =	vst v0  }
0x14f: {  	[tilespmem:$0x1678] =	vst v0  }
0x150: {  	[tilespmem:$0x1668] =	vst v0  }
0x151: {  	[tilespmem:$0x1658] =	vst v0  }
0x152: {  	[tilespmem:$0x1648] =	vst v0  }
0x153: {  	[tilespmem:$0x1638] =	vst v0  }
0x154: {  	[tilespmem:$0x1628] =	vst v0  }
0x155: {  	[tilespmem:$0x1618] =	vst v0  }
0x156: {  	[tilespmem:$0x1608] =	vst v0  }
0x157: {  	[tilespmem:$0x15F8] =	vst v0  }
0x158: {  	[tilespmem:$0x15E8] =	vst v0  }
0x159: {  	[tilespmem:$0x15D8] =	vst v0  }
0x15a: {  	[tilespmem:$0x15C8] =	vst v0  }
0x15b: {  	[tilespmem:$0x15B8] =	vst v0  }
0x15c: {  	[tilespmem:$0x15A8] =	vst v0  }
0x15d: {  	[tilespmem:$0x1598] =	vst v0  }
0x15e: {  	[tilespmem:$0x1588] =	vst v0  }
0x15f: {  	[tilespmem:$0x1578] =	vst v0  }
0x160: {  	[tilespmem:$0x1568] =	vst v0  }
0x161: {  	[tilespmem:$0x1558] =	vst v0  }
0x162: {  	[tilespmem:$0x1548] =	vst v0  }
0x163: {  	[tilespmem:$0x1538] =	vst v0  }
0x164: {  	[tilespmem:$0x1528] =	vst v0  }
0x165: {  	[tilespmem:$0x1518] =	vst v0  }
0x166: {  	[tilespmem:$0x1508] =	vst v0  }
0x167: {  	[tilespmem:$0x14F8] =	vst v0  }
0x168: {  	[tilespmem:$0x14E8] =	vst v0  }
0x169: {  	[tilespmem:$0x14D8] =	vst v0  }
0x16a: {  	[tilespmem:$0x14C8] =	vst v0  }
0x16b: {  	[tilespmem:$0x14B8] =	vst v0  }
0x16c: {  	[tilespmem:$0x14A8] =	vst v0  }
0x16d: {  	[tilespmem:$0x1498] =	vst v0  }
0x16e: {  	[tilespmem:$0x1488] =	vst v0  }
0x16f: {  	[tilespmem:$0x1478] =	vst v0  }
0x170: {  	[tilespmem:$0x1468] =	vst v0  }
0x171: {  	[tilespmem:$0x1458] =	vst v0  }
0x172: {  	[tilespmem:$0x1448] =	vst v0  }
0x173: {  	[tilespmem:$0x1438] =	vst v0  }
0x174: {  	[tilespmem:$0x1428] =	vst v0  }
0x175: {  	[tilespmem:$0x1418] =	vst v0  }
0x176: {  	[tilespmem:$0x1408] =	vst v0  }
0x177: {  	[tilespmem:$0x13F8] =	vst v0  }
0x178: {  	[tilespmem:$0x13E8] =	vst v0  }
0x179: {  	[tilespmem:$0x13D8] =	vst v0  }
0x17a: {  	[tilespmem:$0x13C8] =	vst v0  }
0x17b: {  	[tilespmem:$0x13B8] =	vst v0  }
0x17c: {  	[tilespmem:$0x13A8] =	vst v0  }
0x17d: {  	[tilespmem:$0x1398] =	vst v0  }
0x17e: {  	[tilespmem:$0x1388] =	vst v0  }
0x17f: {  	[tilespmem:$0x1378] =	vst v0  }
0x180: {  	[tilespmem:$0x1368] =	vst v0  }
0x181: {  	[tilespmem:$0x1358] =	vst v0  }
0x182: {  	[tilespmem:$0x1348] =	vst v0  }
0x183: {  	[tilespmem:$0x1338] =	vst v0  }
0x184: {  	[tilespmem:$0x1328] =	vst v0  }
0x185: {  	[tilespmem:$0x1318] =	vst v0  }
0x186: {  	[tilespmem:$0x1308] =	vst v0  }
0x187: {  	[tilespmem:$0x12F8] =	vst v0  }
0x188: {  	[tilespmem:$0x12E8] =	vst v0  }
0x189: {  	[tilespmem:$0x12D8] =	vst v0  }
0x18a: {  	[tilespmem:$0x12C8] =	vst v0  }
0x18b: {  	[tilespmem:$0x12B8] =	vst v0  }
0x18c: {  	[tilespmem:$0x12A8] =	vst v0  }
0x18d: {  	[tilespmem:$0x1298] =	vst v0  }
0x18e: {  	[tilespmem:$0x1288] =	vst v0  }
0x18f: {  	[tilespmem:$0x1278] =	vst v0  }
0x190: {  	[tilespmem:$0x1268] =	vst v0  }
0x191: {  	[tilespmem:$0x1258] =	vst v0  }
0x192: {  	[tilespmem:$0x1248] =	vst v0  }
0x193: {  	[tilespmem:$0x1238] =	vst v0  }
0x194: {  	[tilespmem:$0x1228] =	vst v0  }
0x195: {  	[tilespmem:$0x1218] =	vst v0  }
0x196: {  	[tilespmem:$0x1208] =	vst v0  }
0x197: {  	[tilespmem:$0x11F8] =	vst v0  }
0x198: {  	[tilespmem:$0x11E8] =	vst v0  }
0x199: {  	[tilespmem:$0x11D8] =	vst v0  }
0x19a: {  	[tilespmem:$0x11C8] =	vst v0  }
0x19b: {  	[tilespmem:$0x11B8] =	vst v0  }
0x19c: {  	[tilespmem:$0x11A8] =	vst v0  }
0x19d: {  	[tilespmem:$0x1198] =	vst v0  }
0x19e: {  	[tilespmem:$0x1188] =	vst v0  }
0x19f: {  	[tilespmem:$0x1178] =	vst v0  }
0x1a0: {  	[tilespmem:$0x1168] =	vst v0  }
0x1a1: {  	[tilespmem:$0x1158] =	vst v0  }
0x1a2: {  	[tilespmem:$0x1148] =	vst v0  }
0x1a3: {  	[tilespmem:$0x1138] =	vst v0  }
0x1a4: {  	s4 =	stileid.u32;
	[tilespmem:$0x1128] =	vst v0  }
0x1a5: {  	s0 =	smul.u32 $0xE7, s4;
	[tilespmem:$0x1118] =	vst v0  }
0x1a6: {  	s1 =	smin.u32 s4, $0x8;
	[tilespmem:$0x1108] =	vst v0  }
0x1a7: {  	[tilespmem:$0x10F8] =	vst v0;
	s0 =	sadd.s32 s1, s0  }
0x1a8: {  	p0 =	slt.u32 s4, $0x8;
	[tilespmem:$0x10E8] =	vst v0;
	s1 =	simm.s32 $0x18780;
	s6 =	smul.u32 $0x1B0, s0  }
0x1a9: {  	s1 =	simm.s32 @!p0 $0x185D0;
	[tilespmem:$0x10D8] =	vst v0  }
0x1aa: {  	[tilespmem:$0x10A8] =	vst v0;
	s0 =	sadd.s32 s1, s6  }
0x1ab: {  	[tilespmem:$0x10B8] =	vst v0;
	s7 =	smin.u32 s0, $0x186A00  }
0x1ac: {  	[tilespmem:$0x1098] =	vst v0;
	s0 =	ssub.s32 s7, s6  }
0x1ad: {  	s5 =	simm.s32 $0x2;
	[tilespmem:$0x1028] =	vst v0;
	p0 =	sgt.s32 s0, $0x0  }
0x1ae: {  	s26 =	simm.s32 $0x9;
	s29 =	simm.s32 $0xA;
	[tilespmem:$0x1088] =	vst v0;
	s0 =	simm.s32 @!p0 $0x0  }
0x1af: {  	s30 =	simm.s32 $0xB;
	s16 =	simm.s32 $0x0;
	[tilespmem:$0x1078] =	vst v0;
	s25 =	smulhi.u32 $0x4BDA12F7, s0  }
0x1b0: {  	p4 =	por $0x0, $0x0;
	s17 =	simm.s32 $0xC;
	s21 =	simm.s32 $0x0;
	[tilespmem:$0x1068] =	vst v0  }
0x1b1: {  	s18 =	simm.s32 $0x0;
	s20 =	simm.s32 $0x0;
	[tilespmem:$0x1058] =	vst v0;
	s1 =	sshrl.u32 s25, $0x7  }
0x1b2: {  	s3 =	sadd.s32 $0xC3800, s12;
	s8 =	sand.u32 $0x1, s2;
	s28 =	smul.u32 $0x1B0, s1;
	[tilespmem:$0x1048] =	vst v0  }
0x1b3: {  	s9 =	sadd.s32 $0x30F600, s12;
	s31 =	sshll.u32 s4, $0x5;
	[tilespmem:$0x1038] =	vst v0;
	s14 =	smul.u32 $0x30D40, s8  }
.Ltmp0:
0x1b4: {  	[tilespmem:$0x1008] =	vst v0;
	[sflag:s5] =	ssyncpa.u1 $0x0;
	v0 =	vimm.s32 $0xFFFFFFFF;
	[dreg:$0x5] =	wrdreg s8;
	(pc) =	sbr.rel .LBB2_1-.Ltmp0, $4  }
0x1b5: {  	[dreg:$0x4] =	wrdreg s31;
	[tilespmem:$0x3648] =	vst v0;
	[sflag:s26] =	ssyncpa.u1 $0x0;
	p0 =	sne.s32 s0, s28  }
0x1b6: {  	[sflag:s29] =	ssyncpa.u1 $0x0;
	s12 =	sadd.s32 s14, s12;
	s13 =	simm.s32 @!p0 $0x0  }
0x1b7: {  	[sflag:s30] =	ssyncpa.u1 $0x0;
	s14 =	sadd.s32 $0x61C00, s12;
	s13 =	sadd.s32 s13, s1  }
0x1b8: {  	v0 =	vlaneseq.u32;
	s19 =	smov.u32 s6;
	p0 =	por $0x1, $0x1;
	s15 =	sadd.s32 $0x1, s13  }
.LBB2_18:
0x1b9: {  	s0 =	simm.s32 $0x2  }
0x1ba: {  	_ =	swait.ge [sflag:s0], $0x0  }
0x1bb: {  	[sflag:s0] =	ssyncset.done $0x0;
	s0 =	simm.s32 $0x0  }
.LBB2_19:
0x1bc: {  	_ =	swait.ge [sflag:s17], s0  }
0x1bd: {  	s31 =	ssub.s32 $0x0, s0;
	v1 =	vmov s23;
	vm0 =	veq.s32 v0, $0x0;
	[sflag:s17] =	ssyncset.done $0x0  }
0x1be: {  	vm15 =	veq.s32 v0, $0x2;
	v1 =	vsel vm0, s28, v1;
	[sflag:s17] =	ssyncadd.s32 s31  }
0x1bf: {  	v1 =	vsel vm15, s21, v1;
	[sflag:s17] =	ssyncpa.u1 $0x1  }
0x1c0: {  	[tilespmem:$0x3648] =	vst v1  }
.LBB2_20:
0x1c1: {  	s0 =	sadd.s32 $0x1B0, s19  }
0x1c2: {  	s1 =	smov.u32 s6;
	p1 =	slt.s32 s0, s7  }
0x1c3: {  	s1 =	smov.u32 @p1 s0;
	p1 =	sne.s32 s20, s15  }
.Ltmp1:
0x1c4: {  	_ = 	snop;
	(pc) =	sbr.rel @!p1 .LBB2_21-.Ltmp1, $4  }
0x1c5: {  	_ = 	snop  }
0x1c6: {  	s21 =	smov.u32 s18  }
0x1c7: {  	s31 =	sadd.s32 $0x1, s20;
	s18 =	smov.u32 s19;
	p0 =	por !p0, !p0  }
0x1c8: {  	p4 =	por !p4, !p4;
	s20 =	smov.u32 s31;
	s19 =	smov.u32 s1  }
.LBB2_1:
0x1c9: {  	p2 =	sge.u32 s20, s13  }
0x1ca: {  	s0 =	smulhi.u32 @!p2 $0xAAAAAAAB, s20  }
0x1cb: {  	s1 =	smov.u32 s19;
	p3 =	sgt.s32 @!p2 s19, $0x186850  }
0x1cc: {  	s2 =	sshra.s32 @!p2 s19, $0x1F;
	p3 =	por !p3, p2;
	s0 =	sshrl.u32 @!p2 s0, $0x1  }
0x1cd: {  	s2 =	sand.u32 @!p2 s2, s19;
	s1 =	simm.s32 @p3 $0x186850;
	s0 =	smul.u32 @!p2 $0x3, s0  }
0x1ce: {  	s1 =	ssub.s32 @!p2 s1, s2  }
0x1cf: {  	s23 =	sadd.s32 $0xFFFFFFFF, s20;
	s1 =	sadd.s32 @!p2 $0xFFE797B0, s1;
	s0 =	ssub.s32 @!p2 s20, s0  }
0x1d0: {  	s2 =	sshll.u32 @!p2 s1, $0x2;
	p3 =	sgt.s32 @!p2 s1, $0x1AF;
	s0 =	smul.u32 @!p2 $0x6C0, s0  }
0x1d1: {  	s5 =	sand.u32 @!p2 $0x7, s19;
	s1 =	ssub.s32 @!p2 $0x6C0, s2;
	p3 =	por !p3, p2  }
0x1d2: {  	s2 =	sshrl.u32 @!p2 s19, $0x3;
	s1 =	sshrl.u32 @!p2 s1, $0x2;
	s0 =	sshrl.u32 @!p2 s0, $0x2  }
0x1d3: {  	s2 =	sadd.s32 @!p2 s2, s14;
	s1 =	simm.s32 @!p3 $0x0;
	s0 =	sadd.s32 @!p2 $0x3888, s0  }
0x1d4: {  	[tilespmem:s0], [sflag:$0xA] =	stream.linear.gather @!p2 [hbm4b:s2+s5], s1, $0x38;
	[tilespmem:$0x1F0F8] =	vst v63  }
0x1d5: {  	p2 =	sge.u32 s23, s13  }
0x1d6: {  	p3 =	sgt.s32 @!p2 s18, $0x186850  }
0x1d7: {  	s0 =	smov.u32 s18;
	s1 =	sshra.s32 @!p2 s18, $0x1F;
	p3 =	por !p3, p2  }
0x1d8: {  	s1 =	sand.u32 @!p2 s1, s18;
	s0 =	simm.s32 @p3 $0x186850  }
0x1d9: {  	s0 =	ssub.s32 @!p2 s0, s1  }
0x1da: {  	s0 =	sadd.s32 @!p2 $0xFFE797B0, s0  }
0x1db: {  	s1 =	sshll.u32 @!p2 s0, $0x2  }
0x1dc: {  	p3 =	sgt.s32 @!p2 s0, $0x1AF;
	s0 =	ssub.s32 @!p2 $0x6C0, s1  }
0x1dd: {  	s22 =	ssub.s32 @!p2 $0x186A00, s18;
	p3 =	por !p3, p2;
	s0 =	sshrl.u32 @!p2 s0, $0x2  }
0x1de: {  	s1 =	sand.u32 @!p2 $0x1, s23;
	s0 =	simm.s32 @!p3 $0x0;
	p3 =	slt.s32 @!p2 s22, $0x1  }
0x1df: {  	s2 =	simm.s32 @!p2 $0xA;
	s1 =	smul.u32 @!p2 $0x6C0, s1;
	p3 =	por p2, p3  }
.Ltmp2:
0x1e0: {  	_ =	swait.ge @!p2 [sflag:s2], s0;
	(pc) =	sbr.rel @p3 .LBB2_7-.Ltmp2, $4  }
0x1e1: {  	s5 =	ssub.s32 @!p2 $0x0, s0;
	[sflag:s2] =	ssyncset.done @!p2 $0x0  }
0x1e2: {  	s1 =	sshrl.u32 @!p2 s1, $0x2;
	[sflag:s2] =	ssyncadd.s32 @!p2 s5;
	s2 =	sshrl.u32 @!p2 s18, $0x3  }
0x1e3: {  	s1 =	sadd.s32 @!p2 $0x3D98, s1;
	s5 =	sand.u32 @!p2 $0x7, s18;
	s2 =	sadd.s32 @!p2 s2, s12  }
0x1e4: {  	[tilespmem:s1], [sflag:$0xB] =	stream.linear.gather @!p2 [hbm4b:s2+s5], s0, $0x38;
	[tilespmem:$0x1F0F8] =	vst v63  }
0x1e5: {  	s0 =	smulhi.u32 $0xAAAAAAAB, s23;
	_ =	sdelay $0x1  }
0x1e6: {  	s0 =	sshrl.u32 s0, $0x1  }
0x1e7: {  	s0 =	smul.u32 $0x3, s0;
	_ =	sdelay $0x1  }
0x1e8: {  	s0 =	ssub.s32 s23, s0  }
0x1e9: {  	s1 =	simm.s32 $0x1;
	s0 =	smul.u32 $0x6C0, s0  }
.Ltmp3:
0x1ea: {  	s1 =	simm.s32 @!p0 $0x0;
	(pc) =	sbr.rel .LBB2_4-.Ltmp3, $4  }
0x1eb: {  	s1 =	smul.u32 $0x36000, s1  }
0x1ec: {  	p3 =	slt.s32 @!p2 s22, $0x1B0;
	s0 =	sshrl.u32 s0, $0x2  }
0x1ed: {  	p2 =	por !p3, p2;
	s1 =	sshrl.u32 s1, $0x2;
	s0 =	sadd.s32 $0x3888, s0  }
0x1ee: {  	s24 =	simm.s32 $0x0;
	s22 =	simm.s32 @p2 $0x1B0;
	s23 =	sadd.s32 $0x40F8, s1;
	v1 =	vmov s0  }
.LBB2_3:
0x1ef: {  	p2 =	sge.s32 s24, s22  }
.Ltmp4:
0x1f0: {  	_ = 	snop;
	(pc) =	sbr.rel @p2 .LBB2_7-.Ltmp4, $2  }
0x1f1: {  	_ =	sdelay $0x2  }
0x1f2: {  	s23 =	sadd.s32 $0x800, s23  }
.LBB2_4:
0x1f3: {  	p2 =	sle.s32 s22, s24  }
.Ltmp5:
0x1f4: {  	_ = 	snop;
	(pc) =	sbr.rel @p2 .LBB2_3-.Ltmp5, $2  }
0x1f5: {  	_ =	sdelay $0x2  }
0x1f6: {  	s0 =	smov.u32 s24;
	s24 =	sadd.s32 $0x10, s24  }
0x1f7: {  	s1 =	ssub.s32 s22, s0  }
0x1f8: {  	p2 =	slt.s32 s1, $0x10  }
0x1f9: {  	s1 =	simm.s32 @!p2 $0x10  }
0x1fa: {  	v2 =	vmov s1  }
0x1fb: {  	vm0 =	vgt.s32 v2, v0;
	_ =	sdelay $0x5  }
0x1fc: {  	v2 =	vld.idx.msk [tilespmem:v1+s0+$0x0 ss:$0x1], vm0;
	_ =	sdelay $0x2  }
0x1fd: {  	p2 =	slt.s32 s24, s22;
	s1 =	smov.u32 s22  }
0x1fe: {  	s2 =	smov.u32 s23;
	s25 =	simm.s32 $0x0;
	s1 =	smov.u32 @p2 s24  }
.LBB2_6:
0x1ff: {  	(v2sf) =	vpush v2, s25;
	_ =	sdelay $0xc  }
0x200: {  	s25 =	sadd.s32 $0x1, s25  }
0x201: {  	s31 =	sadd.s32 s25, s0  }
0x202: {  	p2 =	slt.s32 s31, s1;
	s5 =	spop (v2sf)  }
.Ltmp6:
0x203: {  	s5 =	sshll.u32 s5, $0x4;
	(pc) =	sbr.rel @p2 .LBB2_6-.Ltmp6, $4  }
0x204: {  	s5 =	sand.u32 $0x1FFFFFF0, s5  }
0x205: {  	s5 =	sadd.s32 s9, s5  }
0x206: {  	[tilespmem:s2], [sflag:$0x9] =	stream.linear.gather [hbm4b:s5+s16], $0x3, $0x38;
	[tilespmem:$0x1F0F8] =	vst v63  }
0x207: {  	s2 =	sadd.s32 $0x80, s2  }
.Ltmp7:
0x208: {  	_ = 	snop;
	(pc) =	sbr.rel .LBB2_3-.Ltmp7, $1  }
0x209: {  	_ =	sdelay $0x3  }
.LBB2_7:
0x20a: {  	p2 =	slt.u32 s20, $0x2  }
.Ltmp8:
0x20b: {  	_ = 	snop;
	(pc) =	sbr.rel @p2 .LBB2_20-.Ltmp8, $1  }
0x20c: {  	_ =	sdelay $0x3  }
0x20d: {  	s0 =	ssub.s32 $0x186A00, s21;
	p2 =	sgt.s32 s21, $0x186850  }
0x20e: {  	s1 =	smov.u32 s21;
	s2 =	sshra.s32 s21, $0x1F;
	p3 =	slt.s32 s0, $0x1B0  }
0x20f: {  	s1 =	simm.s32 @!p2 $0x186850;
	s2 =	sand.u32 s2, s21;
	s0 =	simm.s32 @!p3 $0x1B0  }
0x210: {  	s1 =	ssub.s32 s1, s2;
	s0 =	smul.u32 $0xC, s0  }
0x211: {  	s1 =	sadd.s32 $0xFFE797B0, s1  }
0x212: {  	s26 =	simm.s32 $0x9;
	s24 =	sshll.u32 s1, $0x2;
	s0 =	sshrl.u32 s0, $0x2  }
0x213: {  	p2 =	sgt.s32 s1, $0x1AF;
	s25 =	ssub.s32 $0x6C0, s24;
	_ =	swait.ge [sflag:s26], s0  }
0x214: {  	s0 =	ssub.s32 $0x0, s0;
	s1 =	sshrl.u32 s25, $0x2;
	[sflag:s26] =	ssyncset.done $0x0  }
0x215: {  	s28 =	simm.s32 $0xB;
	s1 =	simm.s32 @p2 $0x0;
	[sflag:s26] =	ssyncadd.s32 s0  }
0x216: {  	_ =	swait.ge [sflag:s28], s1  }
0x217: {  	s30 =	ssub.s32 $0x0, s1;
	[sflag:s28] =	ssyncset.done $0x0  }
0x218: {  	[sflag:s28] =	ssyncadd.s32 s30  }
0x219: {  	v1 =	vld [tilespmem:$0x3648];
	_ =	sdelay $0x4  }
0x21a: {  	(v2sf) =	vpush v1, $0x0  }
0x21b: {  	(v2sf) =	vpush v1, $0x1  }
0x21c: {  	(v2sf) =	vpush v1, $0x2;
	_ =	sdelay $0x3  }
0x21d: {  	s0 =	sadd.s32 $0x1B0, s21  }
0x21e: {  	p2 =	slt.s32 s7, s0;
	s1 =	ssub.s32 $0x30D400, s21  }
0x21f: {  	s0 =	smov.u32 @p2 s7;
	p2 =	sgt.s32 s1, $0x0  }
0x220: {  	s25 =	ssub.s32 s0, s21;
	s1 =	simm.s32 @!p2 $0x0  }
0x221: {  	p2 =	slt.s32 s1, s25  }
0x222: {  	s25 =	smov.u32 @p2 s1  }
0x223: {  	s24 =	simm.s32 $0x1;
	p2 =	slt.s32 s25, $0x1  }
.Ltmp9:
0x224: {  	s24 =	simm.s32 @!p4 $0x0;
	(pc) =	sbr.rel @p2 .LBB2_12-.Ltmp9, $4  }
0x225: {  	s31 =	smul.u32 $0x6C0, s24  }
0x226: {  	s26 =	spop (v2sf)  }
0x227: {  	s0 =	sshrl.u32 s31, $0x2;
	s29 =	spop (v2sf)  }
0x228: {  	s22 =	sadd.s32 $0x3D98, s0;
	s21 =	spop (v2sf)  }
0x229: {  	s0 =	smin.u32 s25, $0x10  }
0x22a: {  	v1 =	vmov s0  }
0x22b: {  	p3 =	sgt.s32 s25, $0x10;
	vm1 =	vgt.u32 v1, v0  }
.Ltmp10:
0x22c: {  	_ = 	snop;
	(pc) =	sbr.rel @!p3 .LBB2_11-.Ltmp10, $2  }
0x22d: {  	_ =	sdelay $0x2  }
0x22e: {  	s23 =	simm.s32 $0x10;
	s28 =	sadd.s32 $0xFFFFFFF0, s25;
	s0 =	smov.u32 s22;
	vm0 =	vmmov vm1  }
.LBB2_10:
0x22f: {  	s1 =	smin.u32 s28, $0x10;
	s23 =	sadd.s32 $0x10, s23;
	v1 =	vld.msk [tilespmem:s0+$0x0 ss:$0x1], vm1  }
0x230: {  	v2 =	vmov s1;
	p3 =	slt.s32 s23, s25  }
0x231: {  	vm1 =	vgt.u32 v2, v0  }
.Ltmp11:
0x232: {  	(pc) =	sbr.rel @p3 .LBB2_10-.Ltmp11, $3  }
0x233: {  	_ =	sdelay $0x1  }
0x234: {  	v1 =	vshll.u32 v1, $0x4  }
0x235: {  	s28 =	sadd.s32 $0xFFFFFFF0, s28;
	[tilespmem:s0+$0x0] =	vst.msk vm0, v1;
	s0 =	sadd.s32 $0x10, s0;
	vm0 =	vmmov vm1  }
.LBB2_11:
0x236: {  	_ =	sdelay $0x4  }
0x237: {  	v1 =	vld.msk [tilespmem:s0+$0x0 ss:$0x1], vm1;
	_ =	sdelay $0x4  }
0x238: {  	v1 =	vshll.u32 v1, $0x4  }
0x239: {  	[tilespmem:s0+$0x0] =	vst.msk vm0, v1  }
.LBB2_12:
0x23a: {  	s0 =	sand.u32 $0x1, s20  }
0x23b: {  	s1 =	smul.u32 $0x1B0, s0  }
0x23c: {  	p3 =	sne.s32 s29, $0xFFFFFFFF  }
0x23d: {  	v1 =	vld.msk @!p3 [tilespmem:s1+$0x3D98], $0x1;
	_ =	sdelay $0x4  }
0x23e: {  	(v2sf) =	vpush @!p3 v1, $0x0;
	_ =	sdelay $0x9  }
0x23f: {  	s0 =	smul.u32 $0xD800, s0;
	_ =	sdelay $0x1  }
0x240: {  	v1 =	vld.msk @!p3 [tilespmem:s0+$0x40F8], $0x7  }
.Ltmp12:
0x241: {  	_ = 	snop;
	(pc) =	sbr.rel @p2 .LBB2_18-.Ltmp12, $4  }
0x242: {  	_ = 	snop  }
0x243: {  	s28 =	spop @!p3 (v2sf)  }
0x244: {  	s21 =	simm.s32 @!p3 $0x0;
	s0 =	simm.s32 @!p3 $0x28;
	s23 =	smov.u32 s28  }
0x245: {  	[tilespmem:s0+$0x0] =	vst.msk @!p3 $0x7, v1;
	[sflag:s17] =	ssyncpa.u1 $0x0;
	s28 =	smov.u32 @p3 s26;
	s23 =	smov.u32 @p3 s29  }
0x246: {  	v1 =	vld.msk [tilespmem:s22+$0x0], $0x1;
	_ =	sdelay $0x4  }
0x247: {  	(v2sf) =	vpush v1, $0x0;
	_ =	sdelay $0xe  }
0x248: {  	s0 =	simm.s32 @!p4 $0x0;
	s26 =	smul.u32 $0x36000, s24;
	s31 =	spop (v2sf)  }
0x249: {  	s29 =	ssub.s32 $0x0, s25;
	s0 =	simm.s32 @p4 $0x1;
	p2 =	seq.s32 s28, s31  }
0x24a: {  	s1 =	smov.u32 s28;
	[smem:$0x7FD] =	sst s0;
	p3 =	sgt.s32 @!p2 s28, $0x0  }
0x24b: {  	s0 =	sshrl.u32 s26, $0x2;
	s26 =	sadd.s32 $0x1, s29;
	p3 =	por !p3, p2  }
0x24c: {  	s1 =	simm.s32 @p3 $0x0;
	p3 =	seq.s32 s26, $0x0  }
.Ltmp13:
0x24d: {  	_ = 	snop;
	(pc) =	sbr.rel @p3 .LBB2_15-.Ltmp13, $4  }
0x24e: {  	s25 =	simm.s32 $0x0  }
0x24f: {  	s24 =	sadd.s32 $0x40F8, s0;
	s0 =	simm.s32 @!p2 $0x1;
	s2 =	smin.u32 @!p2 s1, $0xC34FF  }
0x250: {  	s30 =	sadd.s32 $0x1, s22;
	s0 =	smov.u32 @p2 s25;
	s5 =	sand.u32 @!p2 $0xFFFF8, s2  }
0x251: {  	s1 =	simm.s32 @!p2 $0x1B38;
	s2 =	sand.u32 @!p2 $0x7, s2;
	s5 =	sadd.s32 @!p2 s3, s5  }
.LBB2_14:
0x252: {  	s4 =	smov.u32 s0  }
0x253: {  	[tilespmem:s1], [sflag:$0x2] =	stream.linear.gather @!p2 [hbm4b:s5+s2], $0x3, $0x38;
	[tilespmem:$0x1F0F8] =	vst v63  }
0x254: {  	s26 =	sadd.s32 $0x1, s26;
	s2 =	smov.u32 s31;
	v1 =	vld.msk [tilespmem:s30+$0x0], $0x1  }
0x255: {  	p3 =	seq.s32 s26, $0x0;
	_ =	sdelay $0x3  }
0x256: {  	(v2sf) =	vpush v1, $0x0;
	_ =	sdelay $0xe  }
0x257: {  	s31 =	spop (v2sf)  }
0x258: {  	p2 =	seq.s32 s2, s31  }
0x259: {  	p4 =	sgt.s32 @!p2 s2, $0x0;
	s1 =	sshll.u32 @!p2 s0, $0x6;
	s0 =	sadd.s32 @!p2 $0x1, s0  }
.Ltmp14:
0x25a: {  	p4 =	por !p4, p2;
	s1 =	sshra.s32 @!p2 s1, $0x2;
	(pc) =	sbr.rel @!p3 .LBB2_14-.Ltmp14, $4  }
0x25b: {  	s0 =	smov.u32 @p2 s4;
	s2 =	simm.s32 @p4 $0x0;
	s1 =	sadd.s32 @!p2 $0x1B38, s1  }
0x25c: {  	s2 =	smin.u32 @!p2 s2, $0xC34FF  }
0x25d: {  	s4 =	sand.u32 @!p2 $0xFFFF8, s2;
	s2 =	sand.u32 @!p2 $0x7, s2  }
0x25e: {  	s30 =	sadd.s32 $0x1, s30;
	s5 =	sadd.s32 @!p2 s3, s4  }
.LBB2_15:
0x25f: {  	s0 =	smul.u32 $0xC, s0  }
0x260: {  	[tilespmem:s1], [sflag:$0x2] =	stream.linear.gather @!p2 [hbm4b:s5+s2], $0x3, $0x38;
	[tilespmem:$0x1F0F8] =	vst v63  }
0x261: {  	s31 =	simm.s32 $0x2;
	s0 =	sshrl.u32 s0, $0x2  }
0x262: {  	_ =	swait.ge [sflag:s31], s0  }
0x263: {  	s0 =	ssub.s32 $0x0, s0;
	[sflag:s31] =	ssyncset.done $0x0  }
0x264: {  	[sflag:s31] =	ssyncadd.s32 s0  }
0x265: {  	v1 =	vld.msk [tilespmem:s22+$0x0], $0x1;
	_ =	sdelay $0x4  }
0x266: {  	(v2sf) =	vpush v1, $0x0;
	_ =	sdelay $0xe  }
0x267: {  	s26 =	spop (v2sf)  }
0x268: {  	p2 =	sne.s32 s28, s26  }
0x269: {  	p4 =	sne.s32 @p2 s28, s23  }
0x26a: {  	p3 =	por !p4, !p2  }
0x26b: {  	s0 =	sshll.u32 @!p3 s21, $0x6;
	s1 =	simm.s32 @!p3 $0x0  }
0x26c: {  	s0 =	sshra.s32 @!p3 s0, $0x2;
	v1 =	vld.msk @!p3 [tilespmem:s1+$0x1B38], $0x7  }
0x26d: {  	v2 =	vld.msk @!p3 [tilespmem:s0+$0x28], $0x7;
	_ =	sdelay $0x1  }
0x26e: {  	p5 =	sgt.u32 @!p3 s28, $0xC34FF  }
0x26f: {  	p6 =	por @p2 p5, !p4  }
0x270: {  	p1 =	por p6, !p2;
	p6 =	por p4, !p2  }
0x271: {  	s2 =	sadd.s32 @!p3 $0x28, s0;
	s1 =	sand.u32 @!p1 $0xFFFF8, s28;
	s4 =	sshll.u32 @!p6 s21, $0x6;
	v1 =	vmax.f32 @!p3 v1, v2  }
0x272: {  	s28 =	sand.u32 @!p1 $0x7, s28;
	s1 =	sadd.s32 @!p1 s3, s1;
	[tilespmem:s0+$0x28] =	vst.msk @!p3 $0x7, v1;
	s0 =	sshra.s32 @!p6 s4, $0x2  }
0x273: {  	[hbm4b:s1+s28] =	stream.linear.scatter @!p1 [tilespmem:s2], [sflag:$0xC], $0x3, $0x38;
	[tilespmem:$0x1F0F8] =	vst v63  }
0x274: {  	s5 =	rddreg [dreg:$0x4];
	s0 =	sadd.s32 @!p6 $0x28, s0;
	s1 =	simm.s32 @!p6 $0x1  }
0x275: {  	[spmem:s5] =	stream.linear.scatter @!p6 [tilespmem:s0], [sflag:$0x1], $0x3, $0x38;
	[tilespmem:$0x1F0F8] =	vst v63  }
0x276: {  	s0 =	sadd.s32 @p2 $0x1, s21;
	_ =	swait.ge @!p6 [sflag:s1], $0x3  }
0x277: {  	s2 =	sshrl.u32 @p2 s0, $0x4;
	[sflag:s1] =	ssyncset.done @!p6 $0x0  }
0x278: {  	s2 =	smulhi.u32 @p2 $0x97B425F, s2;
	[sflag:s1] =	ssyncadd.s32 @!p6 $0xFFFFFFFD  }
0x279: {  	v1 =	vld.msk @p2 [tilespmem:s24+$0x0], $0x7  }
0x27a: {  	s28 =	sadd.s32 $0x1, s29;
	p1 =	por @p2 !p5, !p4;
	s1 =	smul.u32 @p2 $0x1B0, s2  }
0x27b: {  	p1 =	por !p1, !p2;
	p6 =	seq.s32 s28, $0x0  }
.Ltmp15:
0x27c: {  	s2 =	simm.s32 @!p3 $0x0;
	s1 =	ssub.s32 @p2 s0, s1;
	(pc) =	sbr.rel @p6 .LBB2_17-.Ltmp15, $4  }
0x27d: {  	s2 =	simm.s32 @!p1 $0xC;
	s4 =	sshll.u32 @p2 s1, $0x4  }
0x27e: {  	s29 =	simm.s32 $0x0;
	s0 =	sshll.u32 @!p2 s21, $0x6;
	s2 =	sadd.s32 @!p3 $0x0, s2;
	[tilespmem:s4+$0x28] =	vst.msk @p2 $0x7, v1  }
0x27f: {  	s5 =	simm.s32 @p2 $0x1;
	s2 =	smov.u32 @p3 s25;
	s0 =	sshra.s32 @!p2 s0, $0x2;
	v1 =	vld.msk @!p2 [tilespmem:s24+$0x0], $0x7  }
0x280: {  	s29 =	smov.u32 @p2 s5;
	s21 =	smov.u32 @p2 s1;
	s25 =	smov.u32 @p2 s2;
	v2 =	vld.msk @!p2 [tilespmem:s0+$0x28], $0x7  }
.LBB2_16:
0x281: {  	_ =	sdelay $0x3  }
0x282: {  	v1 =	vmax.f32 @!p2 v1, v2  }
0x283: {  	s22 =	sadd.s32 $0x1, s22;
	[tilespmem:s0+$0x28] =	vst.msk @!p2 $0x7, v1  }
0x284: {  	v1 =	vld.msk [tilespmem:s22+$0x0], $0x1;
	_ =	sdelay $0x4  }
0x285: {  	(v2sf) =	vpush v1, $0x0;
	_ =	sdelay $0xe  }
0x286: {  	s30 =	smov.u32 s26;
	s26 =	spop (v2sf)  }
0x287: {  	p2 =	sne.s32 s30, s26  }
0x288: {  	p5 =	sne.s32 @p2 s30, s23  }
0x289: {  	s0 =	sadd.s32 @p2 $0x1, s21;
	p4 =	por !p5, !p2  }
0x28a: {  	s31 =	sshll.u32 @!p2 s21, $0x6;
	s2 =	sadd.s32 @p2 $0x1, s29;
	s4 =	sshll.u32 @!p4 s29, $0x6  }
0x28b: {  	s1 =	sshrl.u32 @p2 s0, $0x4;
	s5 =	sshll.u32 @!p4 s21, $0x6;
	s4 =	sshra.s32 @!p4 s4, $0x2  }
0x28c: {  	p1 =	sgt.u32 @!p4 s30, $0xC34FF;
	s1 =	smulhi.u32 @p2 $0x97B425F, s1;
	s5 =	sshra.s32 @!p4 s5, $0x2;
	v1 =	vld.msk @!p4 [tilespmem:s4+$0x1B38], $0x7  }
0x28d: {  	s8 =	simm.s32 @!p4 $0x0;
	s29 =	smov.u32 @p2 s2;
	p6 =	por @p2 p1, !p5;
	v2 =	vld.msk @!p4 [tilespmem:s5+$0x28], $0x7  }
0x28e: {  	p1 =	por @p2 !p1, !p5;
	p5 =	por p5, !p2;
	s4 =	sadd.s32 @!p4 $0x28, s5  }
0x28f: {  	p6 =	por p6, !p2;
	p1 =	por !p1, !p2;
	s1 =	smul.u32 @p2 $0x1B0, s1  }
0x290: {  	s11 =	sshll.u32 @!p5 s21, $0x6;
	s10 =	sand.u32 @!p6 $0xFFFF8, s30;
	s8 =	simm.s32 @!p1 $0xC  }
0x291: {  	s30 =	sand.u32 @!p6 $0x7, s30;
	s10 =	sadd.s32 @!p6 s3, s10;
	s2 =	sadd.s32 @!p4 s8, s25  }
0x292: {  	s8 =	rddreg [dreg:$0x4];
	s0 =	ssub.s32 @p2 s0, s1;
	s2 =	smov.u32 @p4 s25;
	v1 =	vmax.f32 @!p4 v1, v2  }
0x293: {  	s1 =	sshll.u32 @p2 s0, $0x4;
	s25 =	smov.u32 @p2 s2;
	s2 =	sshra.s32 @!p5 s11, $0x2;
	[tilespmem:s5+$0x28] =	vst.msk @!p4 $0x7, v1  }
0x294: {  	[hbm4b:s10+s30] =	stream.linear.scatter @!p6 [tilespmem:s4], [sflag:$0xC], $0x3, $0x38;
	[tilespmem:$0x1F0F8] =	vst v63  }
0x295: {  	s21 =	smov.u32 @p2 s0;
	s0 =	sadd.s32 @!p5 $0x28, s2;
	s2 =	simm.s32 @!p5 $0x1  }
0x296: {  	[spmem:s8] =	stream.linear.scatter @!p5 [tilespmem:s0], [sflag:$0x1], $0x3, $0x38;
	[tilespmem:$0x1F0F8] =	vst v63  }
0x297: {  	_ =	swait.ge @!p5 [sflag:s2], $0x3  }
0x298: {  	[sflag:s2] =	ssyncset.done @!p5 $0x0  }
0x299: {  	s24 =	sadd.s32 $0x80, s24;
	[sflag:s2] =	ssyncadd.s32 @!p5 $0xFFFFFFFD  }
0x29a: {  	v1 =	vld.msk @p2 [tilespmem:s24+$0x0], $0x7  }
0x29b: {  	s28 =	sadd.s32 $0x1, s28  }
0x29c: {  	p3 =	seq.s32 s28, $0x0  }
.Ltmp16:
0x29d: {  	_ = 	snop;
	(pc) =	sbr.rel @!p3 .LBB2_16-.Ltmp16, $4  }
0x29e: {  	_ = 	snop  }
0x29f: {  	[tilespmem:s1+$0x28] =	vst.msk @p2 $0x7, v1  }
0x2a0: {  	s0 =	sshra.s32 @!p2 s31, $0x2;
	v1 =	vld.msk @!p2 [tilespmem:s24+$0x0], $0x7  }
0x2a1: {  	v2 =	vld.msk @!p2 [tilespmem:s0+$0x28], $0x7  }
.LBB2_17:
0x2a2: {  	_ = 	snop  }
.Ltmp17:
0x2a3: {  	_ = 	snop;
	(pc) =	sbr.rel .LBB2_19-.Ltmp17, $3  }
0x2a4: {  	s1 =	sld [smem:$0x7FD];
	_ =	sdelay $0x1  }
0x2a5: {  	v1 =	vmax.f32 @!p2 v1, v2  }
0x2a6: {  	s28 =	smov.u32 s26;
	p4 =	seq.s32 s1, $0x1;
	[tilespmem:s0+$0x28] =	vst.msk @!p2 $0x7, v1;
	s0 =	sshrl.u32 s25, $0x2  }
.LBB2_21:
0x2a7: {  	_ =	sfence.sel $0x180000  }
0x2a8: {  	s0 =	simm.s32 $0x9;
	[bflag:$0x0] =	sbarrier.arrive $0xFFFF  }
0x2a9: {  	s24 =	simm.s32 $0xA;
	[sflag:s0] =	ssyncpa.u1 $0x1  }
0x2aa: {  	s25 =	simm.s32 $0xB;
	[sflag:s24] =	ssyncpa.u1 $0x1  }
0x2ab: {  	s26 =	simm.s32 $0x2;
	[sflag:s25] =	ssyncpa.u1 $0x1  }
0x2ac: {  	[sflag:s26] =	ssyncpa.u1 $0x1  }
0x2ad: {  	v0 =	vld [tilespmem:$0x3648];
	_ =	sdelay $0x4  }
0x2ae: {  	(v2sf) =	vpush v0, $0x0  }
0x2af: {  	(v2sf) =	vpush v0, $0x1;
	_ =	sdelay $0x1  }
0x2b0: {  	(v2sf) =	vpush v0, $0x2;
	_ =	sdelay $0xb  }
0x2b1: {  	s0 =	spop (v2sf)  }
0x2b2: {  	s1 =	spop (v2sf)  }
0x2b3: {  	s2 =	smov.u32 s0;
	p0 =	sne.s32 s0, s1  }
0x2b4: {  	s4 =	spop (v2sf);
	s2 =	simm.s32 @!p0 $0xFFFFFFFF  }
0x2b5: {  	v2 =	vimm.s32 $0x1;
	v3 =	vlaneseq.u32;
	p0 =	seq.s32 s4, $0xFFFFFFFF;
	v1 =	vmov s2  }
0x2b6: {  	s16 =	stileid.u32;
	v0 =	vperm.xlane v0, v2;
	p1 =	sne.s32 @!p0 s0, s1;
	v1 =	vperm.xlane v1, v3  }
0x2b7: {  	vm0 =	vcmask $0x3F04;
	s6 =	simm.s32 $0x3648;
	s0 =	simm.s32 @!p0 $0x1;
	p1 =	por !p1, p0  }
0x2b8: {  	s2 =	sshll.u32 s16, $0x1;
	s1 =	sshll.u32 @!p0 s4, $0x6;
	s0 =	simm.s32 @p1 $0x0;
	v0 =	vsel vm0, v1, v0  }
0x2b9: {  	s5 =	sor.u32 $0x200, s2;
	s1 =	sshra.s32 @!p0 s1, $0x2;
	s0 =	sor.u32 @!p0 s0, s2;
	[tilespmem:$0x3648] =	vst v0  }
0x2ba: {  	[spmem:s5] =	stream.linear.scatter [tilespmem:s6], [sflag:$0x1], $0x2, $0x38;
	[tilespmem:$0x1F0F8] =	vst v63  }
0x2bb: {  	s1 =	sadd.s32 @!p0 $0x28, s1;
	s0 =	sshll.u32 @!p0 s0, $0x4  }
0x2bc: {  	[spmem:s0] =	stream.linear.scatter @!p0 [tilespmem:s1], [sflag:$0x1], $0x10, $0x38;
	[tilespmem:$0x1F0F8] =	vst v63  }
0x2bd: {  	s0 =	simm.s32 @!p0 $0x12  }
0x2be: {  	s28 =	simm.s32 $0x1;
	s0 =	simm.s32 @p0 $0x2  }
0x2bf: {  	_ =	swait.ge [sflag:s28], s0  }
0x2c0: {  	s0 =	ssub.s32 $0x0, s0;
	[sflag:s28] =	ssyncset.done $0x0  }
0x2c1: {  	p0 =	sne.s32 s16, $0x0;
	[sflag:s28] =	ssyncadd.s32 s0  }
.Ltmp18:
0x2c2: {  	_ =	sfence.stream.spmem;
	(pc) =	sbr.rel @p0 .LBB2_38-.Ltmp18, $4  }
0x2c3: {  	s29 =	simm.s32 $0x3;
	[bflag:$0x0] =	sbarrier.arrive $0xFFFF  }
0x2c4: {  	s30 =	simm.s32 $0x4;
	[sflag:s29] =	ssyncpa.u1 $0x1  }
0x2c5: {  	s31 =	simm.s32 $0x3C;
	[sflag:s30] =	ssyncpa.u1 $0x1  }
0x2c6: {  	s17 =	rddreg [dreg:$0x5];
	[sflag:s31] =	ssyncpa.u1 $0x1  }
0x2c7: {  	_ =	sfence.stream.spmem;
	s0 =	simm.s32 $0x5  }
0x2c8: {  	s1 =	simm.s32 $0x200;
	s2 =	simm.s32 $0x3658;
	[sflag:s0] =	ssyncpa.u1 $0x0  }
0x2c9: {  	[tilespmem:s2], [sflag:$0x5] =	stream.linear.gather [spmem:s1], $0x20, $0x38;
	[tilespmem:$0x1F0F8] =	vst v63  }
0x2ca: {  	s26 =	simm.s32 $0x0;
	s28 =	simm.s32 $0x3678  }
0x2cb: {  	[tilespmem:s28], [sflag:$0x5] =	stream.linear.gather [spmem:s26], $0x200, $0x38;
	[tilespmem:$0x1F0F8] =	vst v63  }
0x2cc: {  	_ =	swait.ge [sflag:s0], $0x220  }
0x2cd: {  	[sflag:s0] =	ssyncset.done $0x0  }
0x2ce: {  	s29 =	simm.s32 $0x0;
	[sflag:s0] =	ssyncadd.s32 $0xFFFFFDE0  }
0x2cf: {  	v0 =	vld.msk [tilespmem:s29+$0x3658], $0x1;
	_ =	sdelay $0x1  }
0x2d0: {  	s30 =	simm.s32 $0x1  }
0x2d1: {  	v1 =	vld.msk [tilespmem:s30+$0x3658], $0x1;
	_ =	sdelay $0x1  }
0x2d2: {  	(v2sf) =	vpush v0, $0x0;
	_ =	sdelay $0x2  }
0x2d3: {  	(v2sf) =	vpush v1, $0x0;
	_ =	sdelay $0x2  }
0x2d4: {  	s31 =	simm.s32 $0x2  }
0x2d5: {  	v0 =	vld.msk [tilespmem:s31+$0x3658], $0x1;
	_ =	sdelay $0x2  }
0x2d6: {  	s6 =	simm.s32 $0xFFFFFFFF;
	s1 =	simm.s32 $0xFFFFFFFF;
	s0 =	simm.s32 $0xC  }
.LBB2_23:
0x2d7: {  	s2 =	smov.u32 s6;
	s4 =	smov.u32 s1  }
0x2d8: {  	s1 =	sshra.s32 s0, $0x2;
	p1 =	sne.s32 s0, $0x7C;
	s0 =	sadd.s32 $0x4, s0;
	(v2sf) =	vpush v0, $0x0  }
0x2d9: {  	v0 =	vld.msk [tilespmem:s1+$0x3658], $0x1  }
.Ltmp19:
0x2da: {  	(pc) =	sbr.rel @p1 .LBB2_23-.Ltmp19, $4  }
0x2db: {  	s6 =	spop (v2sf)  }
0x2dc: {  	p2 =	sne.s32 s4, $0xFFFFFFFF;
	s1 =	smov.u32 s6  }
0x2dd: {  	p3 =	seq.s32 s6, $0xFFFFFFFF;
	s1 =	smov.u32 @p2 s4  }
0x2de: {  	s6 =	smov.u32 @p3 s2;
	s1 =	smov.u32 @p3 s4  }
0x2df: {  	(v2sf) =	vpush v0, $0x0;
	_ =	sdelay $0x8  }
0x2e0: {  	s0 =	spop (v2sf)  }
0x2e1: {  	p1 =	sne.s32 s1, $0xFFFFFFFF;
	s2 =	smov.u32 s0  }
0x2e2: {  	s9 =	simm.s32 $0x6;
	p2 =	seq.s32 s0, $0xFFFFFFFF;
	s2 =	smov.u32 @p1 s1  }
0x2e3: {  	s10 =	simm.s32 $0x3638;
	s2 =	smov.u32 @p2 s1;
	s1 =	spop (v2sf)  }
0x2e4: {  	s0 =	smov.u32 @p2 s6;
	p1 =	sne.s32 s2, $0xFFFFFFFF;
	s4 =	smov.u32 s1  }
.Ltmp20:
0x2e5: {  	p2 =	seq.s32 s1, $0xFFFFFFFF;
	s4 =	smov.u32 @p1 s2;
	(pc) =	sbr.rel .LBB2_25-.Ltmp20, $4  }
0x2e6: {  	s11 =	simm.s32 $0x0;
	s4 =	smov.u32 @p2 s2;
	s7 =	spop (v2sf)  }
0x2e7: {  	[sflag:s9] =	ssyncpa.u1 $0x0;
	p1 =	sne.s32 s4, $0xFFFFFFFF;
	s8 =	smov.u32 s7  }
0x2e8: {  	s1 =	smov.u32 @p2 s0;
	p2 =	seq.s32 s7, $0xFFFFFFFF;
	s8 =	smov.u32 @p1 s4  }
0x2e9: {  	s6 =	simm.s32 $0x0;
	s7 =	smov.u32 @p2 s1;
	s8 =	smov.u32 @p2 s4  }
.LBB2_30:
0x2ea: {  	p1 =	sgt.u32 s12, $0xC34FF  }
0x2eb: {  	p2 =	seq.s32 @!p1 s12, s8  }
0x2ec: {  	p1 =	por p1, p2  }
0x2ed: {  	p2 =	sne.s32 @!p1 s12, s7  }
0x2ee: {  	p1 =	por p1, !p2  }
0x2ef: {  	s0 =	sshll.u32 @p1 s11, $0x6  }
0x2f0: {  	s0 =	sand.u32 @!p1 $0xFFFF8, s12  }
0x2f1: {  	s1 =	sand.u32 @!p1 $0x7, s12;
	s0 =	sadd.s32 @!p1 s3, s0  }
0x2f2: {  	[tilespmem:s10], [sflag:$0x6] =	stream.linear.gather @!p1 [hbm4b:s0+s1], $0x3, $0x38;
	[tilespmem:$0x1F0F8] =	vst v63  }
0x2f3: {  	_ =	swait.ge @!p1 [sflag:s9], $0x3  }
0x2f4: {  	[sflag:s9] =	ssyncset.done @!p1 $0x0  }
0x2f5: {  	s0 =	sshll.u32 @!p1 s11, $0x6;
	[sflag:s9] =	ssyncadd.s32 @!p1 $0xFFFFFFFD  }
0x2f6: {  	s1 =	sshrl.u32 @!p1 s0, $0x2;
	v1 =	vld @!p1 [tilespmem:$0x3638]  }
0x2f7: {  	v2 =	vld @!p1 [tilespmem:s1+$0x3678];
	_ =	sdelay $0x4  }
0x2f8: {  	v1 =	vmax.f32 @!p1 v1, v2  }
0x2f9: {  	[tilespmem:s1+$0x3678] =	vst @!p1 v1  }
0x2fa: {  	s0 =	sshrl.u32 s0, $0x2;
	[tilespmem:s6+$0x3658] =	vst.msk $0x1, v0  }
0x2fb: {  	v0 =	vld [tilespmem:s0+$0x3678];
	_ =	sdelay $0x2  }
0x2fc: {  	s31 =	sshll.u32 s6, $0x6  }
0x2fd: {  	s0 =	sshra.s32 s31, $0x2  }
0x2fe: {  	s6 =	sadd.s32 $0x1, s6;
	[tilespmem:s0+$0x3678] =	vst v0  }
.LBB2_32:
0x2ff: {  	s11 =	sadd.s32 $0x1, s11  }
0x300: {  	p1 =	sne.s32 s11, $0x20  }
.Ltmp21:
0x301: {  	_ = 	snop;
	(pc) =	sbr.rel @!p1 .LBB2_33-.Ltmp21, $1  }
0x302: {  	_ =	sdelay $0x3  }
.LBB2_25:
0x303: {  	v0 =	vld.msk [tilespmem:s11+$0x3658], $0x1;
	_ =	sdelay $0x4  }
0x304: {  	(v2sf) =	vpush v0, $0x0;
	_ =	sdelay $0xe  }
0x305: {  	s12 =	spop (v2sf)  }
0x306: {  	p1 =	seq.s32 s12, $0xFFFFFFFF  }
.Ltmp22:
0x307: {  	_ = 	snop;
	(pc) =	sbr.rel @p1 .LBB2_32-.Ltmp22, $1  }
0x308: {  	_ =	sdelay $0x3  }
0x309: {  	p1 =	slt.s32 s6, $0x1  }
.Ltmp23:
0x30a: {  	_ = 	snop;
	(pc) =	sbr.rel @p1 .LBB2_30-.Ltmp23, $1  }
0x30b: {  	_ =	sdelay $0x3  }
0x30c: {  	s13 =	simm.s32 $0x3658;
	p1 =	por $0x0, $0x0  }
0x30d: {  	v1 =	vld.msk @!p1 [tilespmem:s13+$0x0], $0x1;
	_ =	sdelay $0x4  }
0x30e: {  	(v2sf) =	vpush @!p1 v1, $0x0;
	_ =	sdelay $0xd  }
0x30f: {  	p3 =	sne.s32 s6, $0x1  }
.Ltmp24:
0x310: {  	s0 =	spop @!p1 (v2sf);
	(pc) =	sbr.rel @!p3 .LBB2_29-.Ltmp24, $4  }
0x311: {  	p2 =	seq.s32 @!p1 s12, s0  }
0x312: {  	s14 =	simm.s32 $0x0;
	p2 =	por !p2, p1  }
0x313: {  	s0 =	simm.s32 $0xFFFFFFFF;
	s14 =	simm.s32 @p2 $0xFFFFFFFF  }
0x314: {  	s15 =	simm.s32 $0x1;
	s14 =	smov.u32 @p1 s0  }
.LBB2_28:
0x315: {  	s0 =	smov.u32 s14;
	p1 =	sne.s32 s14, $0xFFFFFFFF  }
0x316: {  	s13 =	sadd.s32 $0x1, s13;
	s14 =	smov.u32 s15;
	s15 =	sadd.s32 $0x1, s15  }
0x317: {  	p2 =	sne.s32 s6, s15;
	v1 =	vld.msk @!p1 [tilespmem:s13+$0x0], $0x1;
	_ =	sdelay $0x4  }
0x318: {  	(v2sf) =	vpush @!p1 v1, $0x0;
	_ =	sdelay $0xe  }
.Ltmp25:
0x319: {  	s1 =	spop @!p1 (v2sf);
	(pc) =	sbr.rel @p2 .LBB2_28-.Ltmp25, $4  }
0x31a: {  	p3 =	seq.s32 @!p1 s12, s1  }
0x31b: {  	p3 =	por !p3, p1  }
0x31c: {  	s14 =	simm.s32 @p3 $0xFFFFFFFF  }
0x31d: {  	s14 =	smov.u32 @p1 s0  }
.LBB2_29:
0x31e: {  	p1 =	sne.s32 s14, $0xFFFFFFFF  }
.Ltmp26:
0x31f: {  	_ = 	snop;
	(pc) =	sbr.rel @!p1 .LBB2_30-.Ltmp26, $1  }
0x320: {  	_ =	sdelay $0x3  }
0x321: {  	s0 =	sshll.u32 s11, $0x4  }
0x322: {  	s1 =	sshll.u32 s14, $0x6;
	s0 =	sand.u32 $0x3FFFFFF0, s0  }
0x323: {  	s31 =	sshra.s32 s1, $0x2;
	v0 =	vld [tilespmem:s0+$0x3678]  }
0x324: {  	v1 =	vld [tilespmem:s31+$0x3678];
	_ =	sdelay $0x1  }
.Ltmp27:
0x325: {  	_ = 	snop;
	(pc) =	sbr.rel .LBB2_32-.Ltmp27, $3  }
0x326: {  	_ =	sdelay $0x1  }
0x327: {  	v0 =	vmax.f32 v0, v1  }
0x328: {  	[tilespmem:s31+$0x3678] =	vst v0  }
.LBB2_33:
0x329: {  	s0 =	simm.s32 $0x6;
	p1 =	seq.s32 s6, $0x0  }
0x32a: {  	[sflag:s0] =	ssyncpa.u1 $0x1;
	v0 =	vimm.s32 @p1 $0xFFFFFFFF  }
0x32b: {  	s9 =	sadd.s32 $0xFFFFFFFF, s6;
	[tilespmem:$0x3878] =	vst @p1 v0  }
0x32c: {  	v0 =	vld.msk @!p1 [tilespmem:s9+$0x3658], $0x1;
	_ =	sdelay $0x1  }
0x32d: {  	v1 =	vld.msk @!p1 [tilespmem:$0x3658], $0x1;
	_ =	sdelay $0x2  }
0x32e: {  	p2 =	seq.s32 @!p1 s9, $0x0;
	v0 =	vbroadcast @!p1 v0, $0x0  }
0x32f: {  	vm0 =	vmmov @!p1 $0x1;
	p2 =	por !p2, p1  }
0x330: {  	v1 =	vnsel @!p1 vm0, $0xFFFFFFFF, v1;
	vm0 =	vcmask @!p1 $0x308;
	v0 =	vpsel !p2, $0xFFFFFFFF, v0  }
0x331: {  	p2 =	sne.s32 @!p1 s8, s7;
	v0 =	vsel @!p1 vm0, v1, v0  }
0x332: {  	s0 =	simm.s32 @!p1 $0x3678;
	s1 =	simm.s32 @!p1 $0x0;
	p3 =	por !p2, p1;
	[tilespmem:$0x3878] =	vst @!p1 v0  }
0x333: {  	[spmem:s1] =	stream.linear.scatter @!p1 [tilespmem:s0], [sflag:$0x1], $0x10, $0x38;
	[tilespmem:$0x1F0F8] =	vst v63  }
0x334: {  	s0 =	sshll.u32 @!p3 s9, $0x6  }
0x335: {  	s0 =	sshra.s32 @!p3 s0, $0x2  }
0x336: {  	s1 =	simm.s32 @!p3 $0x10;
	s0 =	sadd.s32 @!p3 $0x3678, s0  }
0x337: {  	[spmem:s1] =	stream.linear.scatter @!p3 [tilespmem:s0], [sflag:$0x1], $0x10, $0x38;
	[tilespmem:$0x1F0F8] =	vst v63  }
0x338: {  	s0 =	simm.s32 @!p3 $0x1  }
0x339: {  	_ =	swait.ge @!p3 [sflag:s0], $0x20  }
0x33a: {  	p1 =	por p2, p1;
	[sflag:s0] =	ssyncset.done @!p3 $0x0  }
0x33b: {  	[sflag:s0] =	ssyncadd.s32 @!p3 $0xFFFFFFE0;
	s0 =	simm.s32 @!p1 $0x1  }
0x33c: {  	_ =	swait.ge @!p1 [sflag:s0], $0x10  }
0x33d: {  	s29 =	simm.s32 $0x3878;
	[sflag:s0] =	ssyncset.done @!p1 $0x0  }
0x33e: {  	s30 =	simm.s32 $0x200;
	s31 =	simm.s32 $0x1;
	[sflag:s0] =	ssyncadd.s32 @!p1 $0xFFFFFFF0  }
0x33f: {  	[spmem:s30] =	stream.linear.scatter [tilespmem:s29], [sflag:$0x1], $0x10, $0x38;
	[tilespmem:$0x1F0F8] =	vst v63  }
0x340: {  	_ =	swait.ge [sflag:s31], $0x10  }
0x341: {  	[sflag:s31] =	ssyncset.done $0x0  }
0x342: {  	p1 =	seq.s32 s17, $0x0;
	s8 =	rddreg [dreg:$0x1];
	[sflag:s31] =	ssyncadd.s32 $0xFFFFFFF0  }
0x343: {  	s1 =	sshll.u32 @p1 s8, $0xE;
	s7 =	rddreg [dreg:$0x2]  }
0x344: {  	s0 =	sadd.s32 @p1 $0x15C3C, s1;
	s1 =	sshll.u32 @p1 s7, $0x11  }
0x345: {  	_ =	sfence.stream.spmem;
	s0 =	sor.u32 @p1 s1, s0  }
0x346: {  	[sflag:s0] =	ssyncadd.remote.s32 @p1 $0x1;
	s0 =	simm.s32 @p1 $0x4  }
0x347: {  	s2 =	simm.s32 @!p1 $0x3C;
	s1 =	sand.u32 $0xFFFFFFFE, s8;
	_ =	swait.ge @p1 [sflag:s0], $0x6  }
0x348: {  	s4 =	simm.s32 @!p1 $0x0;
	s1 =	sadd.s32 @!p1 $0x4, s1;
	[sflag:s0] =	ssyncset.done @p1 $0x0  }
0x349: {  	s5 =	simm.s32 @!p1 $0x20;
	[sflag:s0] =	ssyncadd.s32 @p1 $0xFFFFFFFA;
	s0 =	sshll.u32 @!p1 s1, $0x1A  }
0x34a: {  	s1 =	sshll.u32 @!p1 s1, $0xD;
	s0 =	sor.u32 @!p1 s0, s7;
	_ =	swait.eq @!p1 [sflag:s2], $0x1  }
0x34b: {  	s1 =	sor.u32 @!p1 $0x1C04, s1;
	s2 =	simm.s32 @!p1 $0x1C03;
	s0 =	sor.u32 @!p1 $0x80004000, s0  }
0x34c: {  	[spmem:s5], [sflag:s1] =	dma.general @!p1 [spmem:s4], [sflag:s2], length:$0x4, [dreg:$0x0], stride_count:$0x0, ici_dest:s0, dma_misc:DstOpCode:WRITE  }
0x34d: {  	p2 =	slt.s32 s9, $0x2;
	s4 =	simm.s32 @!p1 $0x40;
	s5 =	simm.s32 @!p1 $0x42  }
0x34e: {  	[spmem:s5], [sflag:s1] =	dma.general @!p1 [spmem:s4], [sflag:s2], length:$0x2, [dreg:$0x0], stride_count:$0x0, ici_dest:s0, dma_misc:DstOpCode:WRITE  }
.Ltmp28:
0x34f: {  	s0 =	simm.s32 @!p1 $0x3;
	(pc) =	sbr.rel @p2 .LBB2_37-.Ltmp28, $4  }
0x350: {  	s1 =	sshll.u32 @!p1 s8, $0xE;
	_ =	swait.ge @!p1 [sflag:s0], $0x6  }
0x351: {  	s2 =	sshll.u32 @!p1 s7, $0x11;
	s1 =	sadd.s32 @!p1 $0x11C3C, s1;
	[sflag:s0] =	ssyncset.done @!p1 $0x0  }
0x352: {  	[sflag:s0] =	ssyncadd.s32 @!p1 $0xFFFFFFFA;
	s0 =	sor.u32 @!p1 s2, s1  }
0x353: {  	[sflag:s0] =	ssyncadd.remote.s32 @!p1 $0xFFFFFFFF;
	s0 =	simm.s32 $0x0  }
0x354: {  	s0 =	simm.s32 $0x3659  }
0x355: {  	v0 =	vld.msk [tilespmem:s0+$0x0], $0x1;
	_ =	sdelay $0x4  }
0x356: {  	(v2sf) =	vpush v0, $0x0;
	_ =	sdelay $0xd  }
0x357: {  	s2 =	sadd.s32 $0xFFFFFFFE, s6  }
0x358: {  	s2 =	sadd.s32 $0xFFFFFFFF, s2;
	s0 =	spop (v2sf)  }
0x359: {  	p2 =	sne.s32 s2, $0x0;
	p1 =	sgt.u32 s0, $0xC34FF  }
.Ltmp29:
0x35a: {  	s4 =	sand.u32 @!p1 $0xFFFF8, s0;
	(pc) =	sbr.rel @!p2 .LBB2_36-.Ltmp29, $4  }
0x35b: {  	s1 =	simm.s32 $0x3688;
	s0 =	sand.u32 @!p1 $0x7, s0;
	s4 =	sadd.s32 @!p1 s3, s4  }
0x35c: {  	[hbm4b:s4+s0] =	stream.linear.scatter @!p1 [tilespmem:s1], [sflag:$0x5], $0x3, $0x38;
	[tilespmem:$0x1F0F8] =	vst v63  }
0x35d: {  	s0 =	simm.s32 $0x0  }
0x35e: {  	s6 =	simm.s32 $0x0;
	s7 =	simm.s32 $0x365A;
	s0 =	simm.s32 @!p1 $0xC  }
.LBB2_35:
0x35f: {  	v0 =	vld.msk [tilespmem:s7+$0x0], $0x1;
	s2 =	sadd.s32 $0xFFFFFFFF, s2;
	s6 =	sadd.s32 s6, s0  }
0x360: {  	p1 =	sne.s32 s2, $0x0;
	_ =	sdelay $0x3  }
0x361: {  	(v2sf) =	vpush v0, $0x0;
	_ =	sdelay $0xe  }
.Ltmp30:
0x362: {  	s4 =	spop (v2sf);
	(pc) =	sbr.rel @p1 .LBB2_35-.Ltmp30, $4  }
0x363: {  	s0 =	simm.s32 $0x0;
	p2 =	sgt.u32 s4, $0xC34FF  }
0x364: {  	s1 =	sadd.s32 $0x10, s1;
	s0 =	simm.s32 @!p2 $0xC;
	s5 =	sand.u32 @!p2 $0xFFFF8, s4  }
0x365: {  	s7 =	sadd.s32 $0x1, s7;
	s4 =	sand.u32 @!p2 $0x7, s4;
	s5 =	sadd.s32 @!p2 s3, s5  }
0x366: {  	[hbm4b:s5+s4] =	stream.linear.scatter @!p2 [tilespmem:s1], [sflag:$0x5], $0x3, $0x38;
	[tilespmem:$0x1F0F8] =	vst v63  }
.LBB2_36:
0x367: {  	s0 =	sadd.s32 s6, s0  }
0x368: {  	s0 =	sshrl.u32 s0, $0x2  }
.LBB2_37:
0x369: {  	s1 =	simm.s32 $0x5  }
0x36a: {  	_ =	swait.ge [sflag:s1], s0  }
0x36b: {  	s31 =	ssub.s32 $0x0, s0;
	[sflag:s1] =	ssyncset.done $0x0  }
0x36c: {  	[sflag:s1] =	ssyncadd.s32 s31  }
0x36d: {  	[sflag:s1] =	ssyncpa.u1 $0x1  }
.LBB2_38:
0x36e: {  	s0 =	sor.u32 s17, s16  }
0x36f: {  	p1 =	sne.s32 s0, $0x0  }
.Ltmp31:
0x370: {  	_ = 	snop;
	(pc) =	sbr.rel @p1 .LBB2_53-.Ltmp31, $3  }
0x371: {  	_ =	sdelay $0x1  }
0x372: {  	[bflag:$0x0] =	sbarrier.arrive $0xFFFF  }
0x373: {  	_ =	sfence  }
0x374: {  	s0 =	simm.s32 $0x7  }
0x375: {  	s1 =	simm.s32 $0x200;
	s2 =	simm.s32 $0x3658;
	[sflag:s0] =	ssyncpa.u1 $0x0  }
0x376: {  	[tilespmem:s2], [sflag:$0x7] =	stream.linear.gather [spmem:s1], $0x20, $0x38;
	[tilespmem:$0x1F0F8] =	vst v63  }
0x377: {  	s30 =	simm.s32 $0x3678;
	s1 =	simm.s32 $0x0  }
0x378: {  	[tilespmem:s30], [sflag:$0x7] =	stream.linear.gather [spmem:s1], $0x200, $0x38;
	[tilespmem:$0x1F0F8] =	vst v63  }
.Ltmp32:
0x379: {  	_ = 	snop;
	(pc) =	sbr.rel .LBB2_40-.Ltmp32, $4  }
0x37a: {  	_ =	swait.ge [sflag:s0], $0x220  }
0x37b: {  	[sflag:s0] =	ssyncset.done $0x0  }
0x37c: {  	s31 =	simm.s32 $0x8;
	[sflag:s0] =	ssyncadd.s32 $0xFFFFFDE0  }
0x37d: {  	s2 =	simm.s32 $0x0;
	[sflag:s31] =	ssyncpa.u1 $0x0  }
.LBB2_45:
0x37e: {  	p1 =	slt.u32 s4, $0xC3500  }
0x37f: {  	s0 =	sand.u32 @p1 $0xFFFF8, s4  }
0x380: {  	s4 =	sand.u32 @p1 $0x7, s4;
	s5 =	simm.s32 @p1 $0x3638;
	s0 =	sadd.s32 @p1 s3, s0  }
0x381: {  	[tilespmem:s5], [sflag:$0x8] =	stream.linear.gather @p1 [hbm4b:s0+s4], $0x3, $0x38;
	[tilespmem:$0x1F0F8] =	vst v63  }
0x382: {  	s0 =	simm.s32 @p1 $0x8  }
0x383: {  	_ =	swait.ge @p1 [sflag:s0], $0x3  }
0x384: {  	[sflag:s0] =	ssyncset.done @p1 $0x0  }
0x385: {  	[sflag:s0] =	ssyncadd.s32 @p1 $0xFFFFFFFD;
	s0 =	sshll.u32 @p1 s2, $0x6  }
0x386: {  	v1 =	vld @p1 [tilespmem:$0x3638];
	s4 =	sshrl.u32 @p1 s0, $0x2  }
0x387: {  	v2 =	vld @p1 [tilespmem:s4+$0x3678];
	_ =	sdelay $0x4  }
0x388: {  	s5 =	sshll.u32 @!p1 s2, $0x6;
	v1 =	vmax.f32 @p1 v1, v2  }
0x389: {  	s5 =	smov.u32 @p1 s0;
	[tilespmem:s4+$0x3678] =	vst @p1 v1  }
0x38a: {  	s0 =	sshrl.u32 s5, $0x2;
	[tilespmem:s1+$0x3658] =	vst.msk $0x1, v0  }
0x38b: {  	v0 =	vld [tilespmem:s0+$0x3678];
	_ =	sdelay $0x2  }
0x38c: {  	s31 =	sshll.u32 s1, $0x6  }
0x38d: {  	s0 =	sshra.s32 s31, $0x2  }
0x38e: {  	s1 =	sadd.s32 $0x1, s1;
	[tilespmem:s0+$0x3678] =	vst v0  }
.LBB2_47:
0x38f: {  	s2 =	sadd.s32 $0x1, s2  }
0x390: {  	p1 =	sne.s32 s2, $0x20  }
.Ltmp33:
0x391: {  	_ = 	snop;
	(pc) =	sbr.rel @!p1 .LBB2_48-.Ltmp33, $1  }
0x392: {  	_ =	sdelay $0x3  }
.LBB2_40:
0x393: {  	v0 =	vld.msk [tilespmem:s2+$0x3658], $0x1;
	_ =	sdelay $0x4  }
0x394: {  	(v2sf) =	vpush v0, $0x0;
	_ =	sdelay $0xe  }
0x395: {  	s4 =	spop (v2sf)  }
0x396: {  	p1 =	seq.s32 s4, $0xFFFFFFFF  }
.Ltmp34:
0x397: {  	_ = 	snop;
	(pc) =	sbr.rel @p1 .LBB2_47-.Ltmp34, $1  }
0x398: {  	_ =	sdelay $0x3  }
0x399: {  	p1 =	slt.s32 s1, $0x1  }
.Ltmp35:
0x39a: {  	_ = 	snop;
	(pc) =	sbr.rel @p1 .LBB2_45-.Ltmp35, $1  }
0x39b: {  	_ =	sdelay $0x3  }
0x39c: {  	s5 =	simm.s32 $0x3658;
	p1 =	por $0x0, $0x0  }
0x39d: {  	v1 =	vld.msk @!p1 [tilespmem:s5+$0x0], $0x1;
	_ =	sdelay $0x4  }
0x39e: {  	(v2sf) =	vpush @!p1 v1, $0x0;
	_ =	sdelay $0xd  }
0x39f: {  	p3 =	sne.s32 s1, $0x1  }
.Ltmp36:
0x3a0: {  	s0 =	spop @!p1 (v2sf);
	(pc) =	sbr.rel @!p3 .LBB2_44-.Ltmp36, $4  }
0x3a1: {  	p2 =	seq.s32 @!p1 s4, s0  }
0x3a2: {  	s6 =	simm.s32 $0x0;
	p2 =	por !p2, p1  }
0x3a3: {  	s0 =	simm.s32 $0xFFFFFFFF;
	s6 =	simm.s32 @p2 $0xFFFFFFFF  }
0x3a4: {  	s7 =	simm.s32 $0x1;
	s6 =	smov.u32 @p1 s0  }
.LBB2_43:
0x3a5: {  	s0 =	smov.u32 s6;
	p1 =	sne.s32 s6, $0xFFFFFFFF  }
0x3a6: {  	s5 =	sadd.s32 $0x1, s5;
	s6 =	smov.u32 s7;
	s7 =	sadd.s32 $0x1, s7  }
0x3a7: {  	p2 =	sne.s32 s1, s7;
	v1 =	vld.msk @!p1 [tilespmem:s5+$0x0], $0x1;
	_ =	sdelay $0x4  }
0x3a8: {  	(v2sf) =	vpush @!p1 v1, $0x0;
	_ =	sdelay $0xe  }
.Ltmp37:
0x3a9: {  	s8 =	spop @!p1 (v2sf);
	(pc) =	sbr.rel @p2 .LBB2_43-.Ltmp37, $4  }
0x3aa: {  	p3 =	seq.s32 @!p1 s4, s8  }
0x3ab: {  	p3 =	por !p3, p1  }
0x3ac: {  	s6 =	simm.s32 @p3 $0xFFFFFFFF  }
0x3ad: {  	s6 =	smov.u32 @p1 s0  }
.LBB2_44:
0x3ae: {  	p1 =	sne.s32 s6, $0xFFFFFFFF  }
.Ltmp38:
0x3af: {  	_ = 	snop;
	(pc) =	sbr.rel @!p1 .LBB2_45-.Ltmp38, $1  }
0x3b0: {  	_ =	sdelay $0x3  }
0x3b1: {  	s0 =	sshll.u32 s2, $0x4  }
0x3b2: {  	s4 =	sshll.u32 s6, $0x6;
	s0 =	sand.u32 $0x3FFFFFF0, s0  }
0x3b3: {  	s31 =	sshra.s32 s4, $0x2;
	v0 =	vld [tilespmem:s0+$0x3678]  }
0x3b4: {  	v1 =	vld [tilespmem:s31+$0x3678];
	_ =	sdelay $0x1  }
.Ltmp39:
0x3b5: {  	_ = 	snop;
	(pc) =	sbr.rel .LBB2_47-.Ltmp39, $3  }
0x3b6: {  	_ =	sdelay $0x1  }
0x3b7: {  	v0 =	vmax.f32 v0, v1  }
0x3b8: {  	[tilespmem:s31+$0x3678] =	vst v0  }
.LBB2_48:
0x3b9: {  	p1 =	slt.s32 s1, $0x1  }
.Ltmp40:
0x3ba: {  	_ = 	snop;
	(pc) =	sbr.rel @p1 .LBB2_52-.Ltmp40, $3  }
0x3bb: {  	_ =	sdelay $0x1  }
0x3bc: {  	s0 =	simm.s32 $0x8  }
0x3bd: {  	s2 =	simm.s32 $0x0;
	[sflag:s0] =	ssyncpa.u1 $0x1  }
0x3be: {  	s0 =	simm.s32 $0x3658  }
0x3bf: {  	v0 =	vld.msk [tilespmem:s0+$0x0], $0x1;
	_ =	sdelay $0x4  }
0x3c0: {  	(v2sf) =	vpush v0, $0x0;
	_ =	sdelay $0xe  }
0x3c1: {  	s1 =	sadd.s32 $0xFFFFFFFF, s1;
	s0 =	spop (v2sf)  }
0x3c2: {  	p2 =	sne.s32 s1, $0x0;
	p1 =	sgt.u32 s0, $0xC34FF  }
.Ltmp41:
0x3c3: {  	s5 =	sand.u32 @!p1 $0xFFFF8, s0;
	(pc) =	sbr.rel @!p2 .LBB2_51-.Ltmp41, $4  }
0x3c4: {  	s4 =	simm.s32 $0x3678;
	s0 =	sand.u32 @!p1 $0x7, s0;
	s5 =	sadd.s32 @!p1 s3, s5  }
0x3c5: {  	[hbm4b:s5+s0] =	stream.linear.scatter @!p1 [tilespmem:s4], [sflag:$0x7], $0x3, $0x38;
	[tilespmem:$0x1F0F8] =	vst v63  }
0x3c6: {  	s0 =	simm.s32 $0x0  }
0x3c7: {  	s5 =	simm.s32 $0x3659;
	s0 =	simm.s32 @!p1 $0xC  }
.LBB2_50:
0x3c8: {  	v0 =	vld.msk [tilespmem:s5+$0x0], $0x1;
	s1 =	sadd.s32 $0xFFFFFFFF, s1;
	s2 =	sadd.s32 s2, s0  }
0x3c9: {  	p1 =	sne.s32 s1, $0x0;
	_ =	sdelay $0x3  }
0x3ca: {  	(v2sf) =	vpush v0, $0x0;
	_ =	sdelay $0xe  }
.Ltmp42:
0x3cb: {  	s6 =	spop (v2sf);
	(pc) =	sbr.rel @p1 .LBB2_50-.Ltmp42, $4  }
0x3cc: {  	s0 =	simm.s32 $0x0;
	p2 =	sgt.u32 s6, $0xC34FF  }
0x3cd: {  	s4 =	sadd.s32 $0x10, s4;
	s0 =	simm.s32 @!p2 $0xC;
	s7 =	sand.u32 @!p2 $0xFFFF8, s6  }
0x3ce: {  	s5 =	sadd.s32 $0x1, s5;
	s6 =	sand.u32 @!p2 $0x7, s6;
	s7 =	sadd.s32 @!p2 s3, s7  }
0x3cf: {  	[hbm4b:s7+s6] =	stream.linear.scatter @!p2 [tilespmem:s4], [sflag:$0x7], $0x3, $0x38;
	[tilespmem:$0x1F0F8] =	vst v63  }
.LBB2_51:
0x3d0: {  	s0 =	sadd.s32 s2, s0  }
0x3d1: {  	s2 =	sshrl.u32 s0, $0x2  }
.LBB2_52:
0x3d2: {  	s0 =	simm.s32 $0x7  }
0x3d3: {  	_ =	swait.ge [sflag:s0], s2  }
0x3d4: {  	s1 =	ssub.s32 $0x0, s2;
	[sflag:s0] =	ssyncset.done $0x0  }
0x3d5: {  	[sflag:s0] =	ssyncadd.s32 s1  }
0x3d6: {  	[sflag:s0] =	ssyncpa.u1 $0x1  }
.LBB2_53:
0x3d7: {  	_ =	sfence;
	s0 =	simm.s32 $0x1  }
0x3d8: {  	[sflag:s0] =	ssyncpa.u1 $0x1  }
0x3d9: {  	_ =	strace $0x90000053  }
0x3da: {  	[bflag:$0x2] =	sbarrier.arrive $0xFFFF  }
0x3db: {  	s0 =	rddreg [dreg:$0x3]  }
0x3dc: {  	s0 =	sadd.s32 @!p0 $0x100000, s0  }
0x3dd: {  	[sflag:s0] =	ssyncadd.tile.s32 @!p0 $0x1;
	_ =	shalt  }
.Lfunc_end2:
_tile_overlayer_lowered:
.L_overlay_start_2:
0x3de: {  	(tag) =	ssettag $0x2  }
0x3df: {  	s0 =	rddreg [dreg:$0x0];
	s2 =	stileid.u32  }
0x3e0: {  	s1 =	rddreg [dreg:$0x1];
	p0 =	sne.s32 s2, $0x0  }
0x3e1: {  	s3 =	rddreg [dreg:$0x2];
	[bflag:$0x3] =	sbarrier.arrive $0xFFFF;
	s2 =	simm.s32 @!p0 $0x1C01  }
0x3e2: {  	[timem:s3], [sflag:s2] =	dma.local @!p0 [hbm:s0], s1  }
0x3e3: {  	s0 =	simm.s32 @!p0 $0x1  }
0x3e4: {  	_ =	swait.ge @!p0 [sflag:s0], s1  }
0x3e5: {  	s1 =	ssub.s32 @!p0 $0x0, s1;
	[sflag:s0] =	ssyncset.done @!p0 $0x0  }
0x3e6: {  	[sflag:s0] =	ssyncadd.s32 @!p0 s1  }
0x3e7: {  	[bflag:$0x3] =	sbarrier.arrive $0xFFFF  }
0x3e8: {  	_ =	shalt  }

// kernel: scatter_offload_async_start
scs
__scs_entry_jumppad:
0x0: {  	(pc) =	sbr.rel $0x88, $3  }
0x1: {  	(tag) =	ssettag $0x0;
	lr =	simm.s32 $0x1  }
0x2: {  	[smem:$0x3F9F] =	sst lr;
	_ =	strace $0xD0000000  }
0x3: {  	_ = 	snop  }
0x4: {  	_ = 	snop  }
0x5: {  	_ = 	snop  }
0x6: {  	_ = 	snop  }
0x7: {  	_ = 	snop  }
__scs_overlays_trampoline_lowered:
0x8: {  	[smem:$0x3FAE] =	sst s0  }
0x9: {  	[smem:$0x3FAF] =	sst s1  }
0xa: {  	[smem:$0x3FB0] =	sst s2  }
0xb: {  	[smem:$0x3FB1] =	sst s3  }
0xc: {  	[smem:$0x3FB2] =	sst s4  }
0xd: {  	[smem:$0x3FB3] =	sst s5  }
0xe: {  	[smem:$0x3FB4] =	sst s6  }
0xf: {  	[smem:$0x3FB5] =	sst s7  }
0x10: {  	[smem:$0x3FB6] =	sst s8  }
0x11: {  	[smem:$0x3FB7] =	sst s9;
	s0 =	simm.s32 @!p0 $0x0  }
0x12: {  	s1 =	sld [smem:$0x3F9D];
	s0 =	simm.s32 @p0 $0x1  }
0x13: {  	[smem:$0x3FB8] =	sst s0;
	s0 =	simm.s32 @!p1 $0x0  }
0x14: {  	s2 =	sld [smem:$0x3F9C];
	s0 =	simm.s32 @p1 $0x1  }
0x15: {  	[smem:$0x3FB9] =	sst s0;
	s0 =	simm.s32 @!p2 $0x0  }
0x16: {  	s3 =	sld [smem:$0x3FDB];
	s0 =	simm.s32 @p2 $0x1  }
0x17: {  	s4 =	simm.s32 $0x1BF5;
	[smem:$0x3FBB] =	sst s0  }
0x18: {  	s0 =	sld [smem:$0x3F9E];
	_ =	swait.ge [sflag:s4], $0x0  }
0x19: {  	s7 =	sld [smem:$0x3F9F]  }
0x1a: {  	s8 =	sadd.s32 $0xFFFFE003, lr  }
0x1b: {  	s9 =	sadd.s32 $0xFFFFFEF7, lr;
	s5 =	simm.s32 $0xFFFFFFFF;
	p2 =	slt.u32 s8, $0xFFFFF086  }
0x1c: {  	p1 =	slt.u32 s9, $0xF7A;
	s5 =	simm.s32 @!p2 $0x0  }
0x1d: {  	s5 =	simm.s32 @p1 $0x1;
	p0 =	seq.s32 s7, s2  }
0x1e: {  	s7 =	smul.u32 @!p0 $0xF7A, s2;
	p2 =	seq.s32 @!p0 s5, $0x0  }
0x1f: {  	s9 =	smul.u32 $0xF7A, s1;
	s8 =	simm.s32 @!p0 $0x1BF5;
	p2 =	por !p2, p0  }
0x20: {  	[sflag:s8] =	ssyncset.s32 @!p0 $0xFFFFF086;
	s6 =	sadd.s32 @!p0 s3, s7;
	s7 =	simm.s32 @!p0 $0x108  }
0x21: {  	s3 =	sadd.s32 s3, s9;
	s6 =	sadd.s32 @!p0 $0x88, s6;
	s7 =	simm.s32 @p2 $0x1082  }
0x22: {  	[simem:s7], [sflag:s8] =	dma.local @!p0 [hbm:s6], $0xF7A  }
0x23: {  	s9 =	sor.u32 $0xD0000000, s2;
	s6 =	simm.s32 $0x108;
	_ =	swait.ge @!p0 [sflag:s8], $0x0  }
0x24: {  	s3 =	sadd.s32 $0x88, s3;
	s6 =	simm.s32 @!p1 $0x1082;
	[sflag:s4] =	ssyncset.s32 $0xFFFFF086  }
0x25: {  	[simem:s6], [sflag:s4] =	dma.local [hbm:s3], $0xF7A  }
0x26: {  	[smem:$0x3F9F] =	sst s1;
	(tag) =	ssettag s2;
	_ =	strace s9  }
0x27: {  	s1 =	sld [smem:$0x3FAF]  }
0x28: {  	s2 =	sld [smem:$0x3FB0]  }
0x29: {  	s4 =	sld [smem:$0x3FB2]  }
0x2a: {  	p0 =	seq.s32 s5, $0x0;
	s5 =	sld [smem:$0x3FB3]  }
0x2b: {  	s6 =	sld [smem:$0x3FB4]  }
0x2c: {  	s7 =	sld [smem:$0x3FB5]  }
0x2d: {  	s3 =	simm.s32 $0x108;
	s8 =	sld [smem:$0x3FB6]  }
0x2e: {  	s3 =	simm.s32 @!p0 $0x1082;
	s9 =	sld [smem:$0x3FB7]  }
0x2f: {  	lr =	sadd.s32 s0, s3;
	s0 =	sld [smem:$0x3FAE]  }
0x30: {  	s3 =	sld [smem:$0x3FB1]  }
0x31: {  	[smem:$0x3FBA] =	sst s10  }
0x32: {  	s10 =	sld [smem:$0x3FB8];
	_ =	sdelay $0x3  }
0x33: {  	p0 =	seq.s32 s10, $0x1;
	s10 =	sld [smem:$0x3FBA];
	_ =	sdelay $0x3  }
0x34: {  	[smem:$0x3FBA] =	sst s10  }
0x35: {  	s10 =	sld [smem:$0x3FB9];
	_ =	sdelay $0x3  }
0x36: {  	p1 =	seq.s32 s10, $0x1;
	s10 =	sld [smem:$0x3FBA];
	_ =	sdelay $0x3  }
0x37: {  	[smem:$0x3FBA] =	sst s10  }
0x38: {  	s10 =	sld [smem:$0x3FBB]  }
0x39: {  	_ = 	snop;
	(pc) =	sbr.ind lr, $3  }
0x3a: {  	_ = 	snop  }
0x3b: {  	_ = 	snop  }
0x3c: {  	p2 =	seq.s32 s10, $0x1;
	s10 =	sld [smem:$0x3FBA]  }
0x3d: {  	_ =	shalt  }
0x3e: {  	_ =	shalt  }
0x3f: {  	_ =	shalt  }
0x40: {  	_ =	shalt  }
0x41: {  	_ =	shalt  }
0x42: {  	_ =	shalt  }
0x43: {  	_ =	shalt  }
0x44: {  	_ =	shalt  }
0x45: {  	_ =	shalt  }
0x46: {  	_ =	shalt  }
0x47: {  	_ =	shalt  }
0x48: {  	_ =	shalt  }
0x49: {  	_ =	shalt  }
0x4a: {  	_ =	shalt  }
0x4b: {  	_ =	shalt  }
0x4c: {  	_ =	shalt  }
0x4d: {  	_ =	shalt  }
0x4e: {  	_ =	shalt  }
0x4f: {  	_ =	shalt  }
0x50: {  	_ =	shalt  }
0x51: {  	_ =	shalt  }
0x52: {  	_ =	shalt  }
0x53: {  	_ =	shalt  }
0x54: {  	_ =	shalt  }
0x55: {  	_ =	shalt  }
0x56: {  	_ =	shalt  }
0x57: {  	_ =	shalt  }
0x58: {  	_ =	shalt  }
0x59: {  	_ =	shalt  }
0x5a: {  	_ =	shalt  }
0x5b: {  	_ =	shalt  }
0x5c: {  	_ =	shalt  }
0x5d: {  	_ =	shalt  }
0x5e: {  	_ =	shalt  }
0x5f: {  	_ =	shalt  }
0x60: {  	_ =	shalt  }
0x61: {  	_ =	shalt  }
0x62: {  	_ =	shalt  }
0x63: {  	_ =	shalt  }
0x64: {  	_ =	shalt  }
0x65: {  	_ =	shalt  }
0x66: {  	_ =	shalt  }
0x67: {  	_ =	shalt  }
0x68: {  	_ =	shalt  }
0x69: {  	_ =	shalt  }
0x6a: {  	_ =	shalt  }
0x6b: {  	_ =	shalt  }
0x6c: {  	_ =	shalt  }
0x6d: {  	_ =	shalt  }
0x6e: {  	_ =	shalt  }
0x6f: {  	_ =	shalt  }
0x70: {  	_ =	shalt  }
0x71: {  	_ =	shalt  }
0x72: {  	_ =	shalt  }
0x73: {  	_ =	shalt  }
0x74: {  	_ =	shalt  }
0x75: {  	_ =	shalt  }
0x76: {  	_ =	shalt  }
0x77: {  	_ =	shalt  }
0x78: {  	_ =	shalt  }
0x79: {  	_ =	shalt  }
0x7a: {  	_ =	shalt  }
0x7b: {  	_ =	shalt  }
0x7c: {  	_ =	shalt  }
0x7d: {  	_ =	shalt  }
0x7e: {  	_ =	shalt  }
0x7f: {  	_ =	shalt  }
0x80: {  	_ =	shalt  }
0x81: {  	_ =	shalt  }
0x82: {  	_ =	shalt  }
0x83: {  	_ =	shalt  }
0x84: {  	_ =	shalt  }
0x85: {  	_ =	shalt  }
0x86: {  	_ =	shalt  }
0x87: {  	_ =	shalt  }
.Lfunc_end0:
.L_simem_size_0:
called_computation_lowered:
.L_overlay_start_0:
0x88: {  	s0 =	sld [smem:$0x3FD9]  }
0x89: {  	s1 =	sld [smem:$0x3FFE];
	_ =	sdelay $0x3  }
0x8a: {  	s0 =	sadd.s32 s1, s0  }
0x8b: {  	[smem:$0x3FC6] =	sst s0  }
0x8c: {  	_ = 	snop  }
0x8d: {  	s12 =	sld [smem:$0x3FD0];
	_ =	sdelay $0x2  }
0x8e: {  	s2 =	simm.s32 $0xD;
	s3 =	simm.s32 $0x10;
	s0 =	sld [smem:$0x3FC8]  }
0x8f: {  	[smem:s3], [sflag:s2] =	dma.local [hbm:s12], $0x1  }
0x90: {  	_ =	swait.eq [sflag:s2], $0x1  }
0x91: {  	[sflag:s2] =	ssyncset.done $0x0  }
0x92: {  	[sflag:s2] =	ssyncadd.s32 $0xFFFFFFFF  }
0x93: {  	s13 =	sld [smem:$0x12];
	(tm) =	ssettm $0x1  }
0x94: {  	s14 =	sld [smem:$0x3FFB];
	_ =	sdelay $0x3  }
0x95: {  	_ =	strace s14  }
0x96: {  	s1 =	sld [smem:$0x3FFC];
	_ =	sdelay $0x3  }
0x97: {  	_ =	strace s1  }
0x98: {  	s1 =	sld [smem:$0x3FFD];
	_ =	sdelay $0x3  }
0x99: {  	_ =	strace s1  }
0x9a: {  	_ =	strace $0x8FFFFFFF  }
0x9b: {  	s15 =	sld [smem:$0x3FDB];
	_ =	sdelay $0x1  }
0x9c: {  	s16 =	simm.s32 $_scs_section_size  }
0x9d: {  	s4 =	simm.s32 $_size__tile_overlayer_lowered;
	s5 =	simm.s32 $_tile_overlayer_lowered  }
0x9e: {  	s6 =	simm.s32 $0x1BFF;
	s17 =	sshll.u32 s5, $0x1;
	s3 =	sadd.s32 s16, s15  }
0x9f: {  	s18 =	simm.s32 $0x0;
	s4 =	sshll.u32 s4, $0x1;
	s5 =	sadd.s32 s17, s3  }
0xa0: {  	[timem:s18], [sflag:s6] =	dma.local [hbm:s5], s4  }
0xa1: {  	_ =	swait.ge [sflag:s6], s4  }
0xa2: {  	s4 =	ssub.s32 $0x0, s4;
	[sflag:s6] =	ssyncset.done $0x0  }
0xa3: {  	[sflag:s6] =	ssyncadd.s32 s4;
	_ =	sdelay $0x1  }
0xa4: {  	s19 =	simm.s32 $0x1B8B  }
0xa5: {  	_ =	swait.ge [sflag:s19], $0x1  }
0xa6: {  	[sflag:s19] =	ssyncset.done $0x0  }
0xa7: {  	s21 =	simm.s32 $0x1B8E;
	s20 =	sld [smem:$0x3FFE];
	[sflag:s19] =	ssyncadd.s32 $0xFFFFFFFF  }
0xa8: {  	s22 =	simm.s32 $execute0_lowered;
	[smem:$0x3FD2] =	sst s21  }
0xa9: {  	s5 =	sshll.u32 s22, $0x1;
	_ =	strace $0x80000046;
	[dreg:$0x1] =	wrdreg $0xFFFFFFFF  }
0xaa: {  	s23 =	simm.s32 $_size_execute0_lowered;
	s5 =	sadd.s32 s3, s5;
	[dreg:$0x0] =	wrdreg $0x0  }
0xab: {  	s6 =	sshll.u32 s23, $0x1;
	[dreg:$0x2] =	wrdreg s5  }
0xac: {  	[dreg:$0x3] =	wrdreg s6  }
0xad: {  	[dreg:$0x4] =	wrdreg $0xC0  }
0xae: {  	s24 =	simm.s32 $execute1_lowered;
	_ =	task [dreg:s18], $0x5FFFF  }
0xaf: {  	s5 =	sshll.u32 s24, $0x1;
	[dreg:$0x1] =	wrdreg $0xFFFFFFFF  }
0xb0: {  	s3 =	sadd.s32 s3, s5;
	[dreg:$0x0] =	wrdreg $0x60  }
0xb1: {  	[dreg:$0x2] =	wrdreg s3  }
0xb2: {  	[dreg:$0x3] =	wrdreg s13  }
0xb3: {  	[dreg:$0x4] =	wrdreg s20  }
0xb4: {  	[dreg:$0x5] =	wrdreg $0x9  }
0xb5: {  	_ =	task.clear_ibuf [dreg:s18], $0x6FFFF;
	_ =	strace $0x90000046  }
0xb6: {  	s25 =	simm.s32 $0x9;
	_ =	strace $0x80000048  }
0xb7: {  	_ =	swait.ge [sflag:s25], $0x1  }
0xb8: {  	[sflag:s25] =	ssyncadd.s32 $0xFFFFFFFF  }
0xb9: {  	_ =	strace $0x90000048  }
0xba: {  	_ =	strace $0x80000049;
	[dreg:$0x1] =	wrdreg $0xFFFFFFFF  }
0xbb: {  	[dreg:$0x0] =	wrdreg $0x2030  }
0xbc: {  	[dreg:$0x2] =	wrdreg s20  }
0xbd: {  	[dreg:$0x3] =	wrdreg s0  }
0xbe: {  	[dreg:$0x4] =	wrdreg $0xA  }
0xbf: {  	_ =	task.clear_ibuf [dreg:s18], $0x5FFFF;
	_ =	strace $0x90000049  }
0xc0: {  	s26 =	simm.s32 $0xA;
	_ =	strace $0x8000004B  }
0xc1: {  	_ =	swait.ge [sflag:s26], $0x1  }
0xc2: {  	[sflag:s26] =	ssyncadd.s32 $0xFFFFFFFF  }
0xc3: {  	_ =	strace $0x9000004B  }
0xc4: {  	_ =	sfence  }
0xc5: {  	s28 =	sld [smem:$0x0];
	_ =	sdelay $0x1  }
0xc6: {  	s29 =	srdreg.scid  }
0xc7: {  	s30 =	sshll.u32 s29, $0xD;
	s31 =	sshrl.u32 s29, $0x2  }
0xc8: {  	s2 =	sand.u32 $0x1, s29;
	s3 =	sand.u32 $0x4000, s30;
	s0 =	sadd.s32 s31, s28  }
0xc9: {  	s2 =	sor.u32 s3, s2;
	s0 =	sshll.u32 s0, $0x11  }
0xca: {  	s0 =	sor.u32 s0, s2  }
0xcb: {  	s0 =	sadd.s32 $0x8F2B, s0  }
0xcc: {  	[sflag:s0] =	ssyncadd.remote.s32 $0x1  }
0xcd: {  	_ =	sfence.sel $0xFFFF  }
0xce: {  	[dreg:$0x0] =	wrdreg $0xFFFFFFFF;
	(pc) =	sbr.abs _section_cstart, $3  }
0xcf: {  	[dreg:$0x1] =	wrdreg $0xFFFFFFFF  }
0xd0: {  	_ =	task.clear_ibuf [dreg:s18], $0x2FFFF;
	_ =	strace $0x9FFFFFFF  }
0xd1: {  	(tm) =	ssettm $0x7FFFFFFF  }
tec
execute0_lowered:
.L_overlay_start_1:
0x0: {  	(tag) =	ssettag $0x1  }
0x1: {  	s2 =	rddreg [dreg:$0x0]  }
0x2: {  	s5 =	rddreg [dreg:$0x1]  }
0x3: {  	s4 =	rddreg [dreg:$0x2]  }
0x4: {  	s0 =	rddreg [dreg:$0x3];
	s3 =	stileid.u32  }
0x5: {  	[bflag:$0x3] =	sbarrier.arrive $0xFFFF;
	s1 =	simm.s32 $_size_execute1_lowered;
	p0 =	sne.s32 s3, $0x0  }
0x6: {  	s1 =	sshll.u32 s1, $0x1;
	s6 =	simm.s32 @!p0 $0x1C3F;
	s7 =	simm.s32 @!p0 $0x4060  }
0x7: {  	[timem:s7], [sflag:s6] =	dma.local @!p0 [hbm:s2], s1  }
.Ltmp0:
0x8: {  	s30 =	simm.s32 $0x2;
	s8 =	simm.s32 $0x24C0;
	(pc) =	sbr.rel .LBB2_1-.Ltmp0, $4  }
0x9: {  	s10 =	simm.s32 $0x0;
	s9 =	simm.s32 $0x0;
	s2 =	smul.u32 $0xC40, s3  }
0xa: {  	s4 =	sadd.s32 $0x61C00, s4;
	s3 =	simm.s32 $0x1;
	_ =	strace $0x80000047  }
0xb: {  	s6 =	simm.s32 $0x0;
	[sflag:s3] =	ssyncpa.u1 $0x0;
	s31 =	sshrl.u32 s2, $0x3  }
0xc: {  	s7 =	simm.s32 $0xC40;
	[sflag:s30] =	ssyncpa.u1 $0x0;
	s5 =	sadd.s32 s31, s5  }
.LBB2_9:
0xd: {  	p1 =	seq.s32 s9, $0x2  }
.Ltmp1:
0xe: {  	_ = 	snop;
	(pc) =	sbr.rel @p1 .LBB2_11-.Ltmp1, $1  }
0xf: {  	_ =	sdelay $0x3  }
.LBB2_10:
0x10: {  	s9 =	sadd.s32 $0x1, s9;
	s10 =	smov.u32 s2  }
.LBB2_1:
0x11: {  	p1 =	sne.s32 s9, $0x0  }
.Ltmp2:
0x12: {  	_ = 	snop;
	(pc) =	sbr.rel @!p1 .LBB2_2-.Ltmp2, $1  }
0x13: {  	_ =	sdelay $0x3  }
0x14: {  	s11 =	sand.u32 $0x1, s9  }
0x15: {  	p1 =	seq.s32 s11, $0x0  }
.Ltmp3:
0x16: {  	_ = 	snop;
	(pc) =	sbr.rel @p1 .LBB2_9-.Ltmp3, $1  }
0x17: {  	_ =	sdelay $0x3  }
0x18: {  	_ =	swait.ge [sflag:s3], $0xC40  }
0x19: {  	[sflag:s3] =	ssyncset.done $0x0  }
0x1a: {  	s16 =	simm.s32 $0xD30;
	[sflag:s3] =	ssyncadd.s32 $0xFFFFF3C0  }
0x1b: {  	v0 =	vld [tilespmem:s16+$0x0]  }
0x1c: {  	v1 =	vld [tilespmem:s16+$0xFFFFFF20]  }
0x1d: {  	v2 =	vld [tilespmem:s16+$0xFFFFFF30]  }
0x1e: {  	v3 =	vld [tilespmem:s16+$0xFFFFFF40]  }
0x1f: {  	s11 =	simm.s32 $0x25B0;
	v4 =	vld [tilespmem:s16+$0xFFFFFF50]  }
0x20: {  	v5 =	vld [tilespmem:s16+$0xFFFFFF60];
	[tilespmem:s11+$0x0] =	vst v0  }
0x21: {  	[tilespmem:s11+$0xFFFFFF20] =	vst v1;
	v0 =	vld [tilespmem:s16+$0xFFFFFF70]  }
0x22: {  	[tilespmem:s11+$0xFFFFFF30] =	vst v2;
	v1 =	vld [tilespmem:s16+$0xFFFFFF80]  }
0x23: {  	[tilespmem:s11+$0xFFFFFF40] =	vst v3;
	v2 =	vld [tilespmem:s16+$0xFFFFFF90]  }
0x24: {  	[tilespmem:s11+$0xFFFFFF50] =	vst v4;
	v3 =	vld [tilespmem:s16+$0xFFFFFFA0]  }
0x25: {  	[tilespmem:s11+$0xFFFFFF60] =	vst v5;
	v5 =	vld [tilespmem:s16+$0xFFFFFFB0]  }
0x26: {  	[tilespmem:s11+$0xFFFFFF70] =	vst v0;
	v0 =	vld [tilespmem:s16+$0xFFFFFFC0]  }
0x27: {  	[tilespmem:s11+$0xFFFFFF80] =	vst v1;
	v1 =	vld [tilespmem:s16+$0xFFFFFFD0]  }
0x28: {  	[tilespmem:s11+$0xFFFFFF90] =	vst v2;
	v2 =	vld [tilespmem:s16+$0xFFFFFFE0]  }
0x29: {  	s15 =	simm.s32 $0x0;
	s12 =	simm.s32 $0xBF0;
	[tilespmem:s11+$0xFFFFFFA0] =	vst v3;
	v3 =	vld [tilespmem:s16+$0xFFFFFFF0]  }
0x2a: {  	s13 =	simm.s32 $0x30C0;
	s14 =	simm.s32 $0x1840;
	v4 =	vld [tilespmem:s16+$0xFFFFFF10];
	[tilespmem:s11+$0xFFFFFFB0] =	vst v5;
	s16 =	simm.s32 $0xE30  }
.LBB2_5:
0x2b: {  	v5 =	vld [tilespmem:s16+$0x0];
	s15 =	sadd.s32 $0x100, s15;
	[tilespmem:s11+$0xFFFFFFC0] =	vst v0  }
0x2c: {  	v0 =	vld [tilespmem:s16+$0xFFFFFF20];
	p1 =	slt.u32 s15, $0xB00;
	[tilespmem:s11+$0xFFFFFFD0] =	vst v1  }
0x2d: {  	v1 =	vld [tilespmem:s16+$0xFFFFFF30];
	[tilespmem:s11+$0xFFFFFFE0] =	vst v2  }
0x2e: {  	v2 =	vld [tilespmem:s16+$0xFFFFFF40];
	[tilespmem:s11+$0xFFFFFFF0] =	vst v3  }
0x2f: {  	v3 =	vld [tilespmem:s16+$0xFFFFFF50];
	[tilespmem:s11+$0xFFFFFF10] =	vst v4;
	s11 =	sadd.s32 $0x100, s11  }
0x30: {  	v4 =	vld [tilespmem:s16+$0xFFFFFF60];
	[tilespmem:s11+$0x0] =	vst v5  }
0x31: {  	[tilespmem:s11+$0xFFFFFF20] =	vst v0;
	v0 =	vld [tilespmem:s16+$0xFFFFFF70]  }
0x32: {  	[tilespmem:s11+$0xFFFFFF30] =	vst v1;
	v1 =	vld [tilespmem:s16+$0xFFFFFF80]  }
0x33: {  	[tilespmem:s11+$0xFFFFFF40] =	vst v2;
	v2 =	vld [tilespmem:s16+$0xFFFFFF90]  }
0x34: {  	[tilespmem:s11+$0xFFFFFF50] =	vst v3;
	v3 =	vld [tilespmem:s16+$0xFFFFFFA0]  }
0x35: {  	[tilespmem:s11+$0xFFFFFF60] =	vst v4;
	v5 =	vld [tilespmem:s16+$0xFFFFFFB0]  }
.Ltmp4:
0x36: {  	[tilespmem:s11+$0xFFFFFF70] =	vst v0;
	v0 =	vld [tilespmem:s16+$0xFFFFFFC0];
	(pc) =	sbr.rel @p1 .LBB2_5-.Ltmp4, $4  }
0x37: {  	[tilespmem:s11+$0xFFFFFF80] =	vst v1;
	v1 =	vld [tilespmem:s16+$0xFFFFFFD0]  }
0x38: {  	[tilespmem:s11+$0xFFFFFF90] =	vst v2;
	v2 =	vld [tilespmem:s16+$0xFFFFFFE0]  }
0x39: {  	[tilespmem:s11+$0xFFFFFFA0] =	vst v3;
	v3 =	vld [tilespmem:s16+$0xFFFFFFF0]  }
0x3a: {  	v4 =	vld [tilespmem:s16+$0xFFFFFF10];
	[tilespmem:s11+$0xFFFFFFB0] =	vst v5;
	s16 =	sadd.s32 $0x100, s16  }
0x3b: {  	[tilespmem:s11+$0xFFFFFFC0] =	vst v0  }
0x3c: {  	[tilespmem:s11+$0xFFFFFFD0] =	vst v1  }
0x3d: {  	[tilespmem:s11+$0xFFFFFFE0] =	vst v2  }
0x3e: {  	[tilespmem:s11+$0xFFFFFFF0] =	vst v3  }
0x3f: {  	[tilespmem:s11+$0xFFFFFF10] =	vst v4  }
.LBB2_7:
0x40: {  	s12 =	sadd.s32 $0x10, s12  }
0x41: {  	v0 =	vld [tilespmem:s14+$0x0];
	p1 =	slt.u32 s12, $0xC30  }
.Ltmp5:
0x42: {  	_ = 	snop;
	(pc) =	sbr.rel @p1 .LBB2_7-.Ltmp5, $2  }
0x43: {  	_ =	sdelay $0x2  }
0x44: {  	s14 =	sadd.s32 $0x10, s14;
	[tilespmem:s13+$0x0] =	vst v0;
	s13 =	sadd.s32 $0x10, s13  }
.Ltmp6:
0x45: {  	(pc) =	sbr.rel .LBB2_9-.Ltmp6, $4  }
0x46: {  	_ = 	snop  }
0x47: {  	s10 =	sshrl.u32 s10, $0x3  }
0x48: {  	s10 =	sadd.s32 s4, s10  }
0x49: {  	[hbm4b:s10+s6] =	stream.linear.scatter [tilespmem:s8], [sflag:$0x2], $0xC40, $0x38;
	[tilespmem:$0x3100] =	vst v63  }
.LBB2_2:
.Ltmp7:
0x4a: {  	(pc) =	sbr.rel .LBB2_10-.Ltmp7, $2  }
0x4b: {  	_ =	sdelay $0x2  }
0x4c: {  	[tilespmem:s7], [sflag:$0x1] =	stream.linear.gather [hbm4b:s5+s6], $0xC40, $0x38;
	[tilespmem:$0x3100] =	vst v63  }
.LBB2_11:
0x4d: {  	s2 =	simm.s32 $0x2  }
0x4e: {  	_ =	swait.ge [sflag:s2], $0xC40  }
0x4f: {  	[sflag:s2] =	ssyncset.done $0x0  }
0x50: {  	[sflag:s2] =	ssyncadd.s32 $0xFFFFF3C0  }
0x51: {  	_ =	sfence.sel $0x180000  }
0x52: {  	s3 =	simm.s32 $0x1;
	[bflag:$0x0] =	sbarrier.arrive $0xFFFF  }
0x53: {  	[sflag:s3] =	ssyncpa.u1 $0x1  }
0x54: {  	[sflag:s2] =	ssyncpa.u1 $0x1  }
0x55: {  	_ =	strace $0x90000047  }
0x56: {  	s0 =	sadd.s32 @!p0 $0x100000, s0;
	[bflag:$0x2] =	sbarrier.arrive $0xFFFF  }
0x57: {  	[sflag:s0] =	ssyncadd.tile.s32 @!p0 $0x1;
	s0 =	simm.s32 @!p0 $0x3F  }
0x58: {  	_ =	swait.ge @!p0 [sflag:s0], s1  }
0x59: {  	s1 =	ssub.s32 @!p0 $0x0, s1;
	[sflag:s0] =	ssyncset.done @!p0 $0x0  }
0x5a: {  	[sflag:s0] =	ssyncadd.s32 @!p0 s1  }
0x5b: {  	[bflag:$0x3] =	sbarrier.arrive $0xFFFF  }
0x5c: {  	_ =	shalt  }
.Lfunc_end2:
execute1_lowered:
.L_overlay_start_2:
0x5d: {  	(tag) =	ssettag $0x2  }
0x5e: {  	s8 =	rddreg [dreg:$0x0]  }
0x5f: {  	s2 =	rddreg [dreg:$0x1]  }
0x60: {  	s0 =	rddreg [dreg:$0x2];
	_ =	strace $0x8000004A;
	s3 =	simm.s32 $0x1  }
0x61: {  	v1 =	vimm.s32 $0xFFFFFFFF;
	[sflag:s3] =	ssyncpa.u1 $0x0  }
0x62: {  	[tilespmem:$0x10] =	vst v1  }
0x63: {  	v0 =	vimm.f32 $0.0e+00;
	[tilespmem:$0x20] =	vst v1  }
0x64: {  	[tilespmem:$0x30] =	vst v0  }
0x65: {  	[tilespmem:$0x40] =	vst v0  }
0x66: {  	[tilespmem:$0x50] =	vst v0  }
0x67: {  	s4 =	simm.s32 $0x2;
	[tilespmem:$0x60] =	vst v1  }
0x68: {  	s5 =	simm.s32 $0x7;
	s7 =	simm.s32 $0x8;
	s10 =	simm.s32 $0x9;
	[tilespmem:$0x70] =	vst v1  }
0x69: {  	s14 =	simm.s32 $0x0;
	s15 =	simm.s32 $0xFF;
	p0 =	por $0x0, $0x0;
	[tilespmem:$0x80] =	vst v1  }
0x6a: {  	s16 =	simm.s32 $0xFFFFC280;
	s17 =	simm.s32 $0xFFFFFFFE;
	s18 =	simm.s32 $0xF;
	v1 =	vimm.s32 $0x0;
	[tilespmem:$0xB0] =	vst v0  }
0x6b: {  	s19 =	simm.s32 $0x30;
	s22 =	simm.s32 $0x0;
	s20 =	simm.s32 $0x0;
	[tilespmem:$0x90] =	vst v1  }
.Ltmp8:
0x6c: {  	[tilespmem:$0xA0] =	vst v1;
	[sflag:s4] =	ssyncpa.u1 $0x0;
	s4 =	stileid.u32;
	(pc) =	sbr.rel .LBB3_1-.Ltmp8, $4  }
0x6d: {  	s1 =	sadd.s32 $0x61C00, s8;
	s6 =	smul.u32 $0x30D40, s4;
	[sflag:s5] =	ssyncpa.u1 $0x0  }
0x6e: {  	s8 =	sadd.s32 $0x30D4000, s8;
	s12 =	sshllo.u32 s4, $0x1;
	[sflag:s7] =	ssyncpa.u1 $0x0  }
0x6f: {  	vm0 =	vmmov $0xffff;
	v2 =	vlaneseq.u32;
	s9 =	sadd.s32 $0x30D40, s6;
	[sflag:s10] =	ssyncpa.u1 $0x0;
	s10 =	sshll.u32 s4, $0x1  }
0x70: {  	vm1 =	vmxor vm1, vm1;
	vm2 =	vmmov $0x1;
	vm3 =	vcmask $0x3F3C;
	s21 =	smov.u32 s6;
	s11 =	sor.u32 $0x81, s10;
	s13 =	sor.u32 $0x80, s10  }
.LBB3_10:
0x71: {  	p1 =	slt.u32 s20, $0x3  }
0x72: {  	s22 =	simm.s32 @!p1 $0x2  }
0x73: {  	_ =	swait.ge @!p1 [sflag:s22], $0x1F40  }
0x74: {  	[sflag:s22] =	ssyncset.done @!p1 $0x0  }
0x75: {  	[sflag:s22] =	ssyncadd.s32 @!p1 $0xFFFFE0C0;
	s22 =	simm.s32 @!p1 $0x9  }
0x76: {  	_ =	swait.ge @!p1 [sflag:s22], $0x10  }
0x77: {  	s23 =	sadd.s32 $0x1F40, s21;
	s24 =	smov.u32 s6;
	[sflag:s22] =	ssyncset.done @!p1 $0x0  }
0x78: {  	s20 =	sadd.s32 $0x1, s20;
	[sflag:s22] =	ssyncadd.s32 @!p1 $0xFFFFFFF0;
	p1 =	slt.s32 s23, s9  }
0x79: {  	s24 =	smov.u32 @p1 s23;
	p1 =	sne.s32 s20, $0x1C  }
.Ltmp9:
0x7a: {  	_ = 	snop;
	(pc) =	sbr.rel @!p1 .LBB3_11-.Ltmp9, $3  }
0x7b: {  	_ =	sdelay $0x1  }
0x7c: {  	s15 =	sadd.s32 $0x1, s15;
	p0 =	por !p0, !p0;
	s16 =	sadd.s32 $0x1F40, s16  }
0x7d: {  	s17 =	sadd.s32 $0x1, s17;
	s22 =	smov.u32 s21;
	s21 =	smov.u32 s24  }
.LBB3_1:
0x7e: {  	p1 =	sgt.u32 s20, $0x18  }
0x7f: {  	s23 =	smul.u32 @!p1 $0xAB, s20;
	_ =	sdelay $0x1  }
0x80: {  	s23 =	sshrl.u32 @!p1 s23, $0x9  }
0x81: {  	s23 =	sand.u32 @!p1 $0x7F, s23  }
0x82: {  	s23 =	smul.u32 @!p1 $0x3, s23;
	_ =	sdelay $0x1  }
0x83: {  	s23 =	ssub.s32 @!p1 s20, s23  }
0x84: {  	s23 =	sand.u32 @!p1 $0xFF, s23  }
0x85: {  	s23 =	smul.u32 @!p1 $0x7D00, s23;
	_ =	sdelay $0x1  }
0x86: {  	s24 =	sshrl.u32 @!p1 s21, $0x3;
	s23 =	sshrl.u32 @!p1 s23, $0x2  }
0x87: {  	s25 =	sand.u32 @!p1 $0x7, s21;
	s24 =	sadd.s32 @!p1 s2, s24;
	s23 =	sadd.s32 @!p1 $0x100, s23  }
0x88: {  	[tilespmem:s23], [sflag:$0x7] =	stream.linear.gather @!p1 [hbm4b:s24+s25], $0x1F40, $0x38;
	[tilespmem:$0x11A60] =	vst v63  }
0x89: {  	s23 =	sadd.s32 $0xFFFFFFFF, s20  }
0x8a: {  	p1 =	sgt.u32 s23, $0x18  }
.Ltmp10:
0x8b: {  	_ = 	snop;
	(pc) =	sbr.rel @p1 .LBB3_5-.Ltmp10, $1  }
0x8c: {  	_ =	sdelay $0x3  }
0x8d: {  	s24 =	smul.u32 $0xAB, s23;
	_ =	sdelay $0x1  }
0x8e: {  	s24 =	sshrl.u32 s24, $0x9  }
0x8f: {  	s24 =	sand.u32 $0x7F, s24  }
0x90: {  	s24 =	smul.u32 $0x3, s24;
	_ =	sdelay $0x1  }
0x91: {  	s24 =	ssub.s32 s23, s24  }
0x92: {  	s24 =	sand.u32 $0xFF, s24  }
0x93: {  	s24 =	smul.u32 $0x7D00, s24  }
0x94: {  	_ =	swait.ge [sflag:s5], $0x1F40  }
0x95: {  	[sflag:s5] =	ssyncset.done $0x0;
	s24 =	sshrl.u32 s24, $0x2  }
0x96: {  	[sflag:s5] =	ssyncadd.s32 $0xFFFFE0C0;
	(ifvalue) =	ssetifvalue $0xFFFFFFFF;
	v3 =	vld.msk [tilespmem:s24+$0x100 ss:$0x1], $0xffff  }
0x97: {  	s29 =	sand.u32 $0xFF, s15  }
0x98: {  	s25 =	smulhi.u32 $0x55555556, s29  }
0x99: {  	p1 =	sne.s32 s20, $0x1  }
0x9a: {  	v4 =	vimm.s32 @!p1 $0x0;
	s25 =	smul.u32 $0x17700, s25  }
0x9b: {  	s24 =	smul.u32 $0x7D00, s29;
	v4 =	vperm.xlane @!p1 v3, v4  }
0x9c: {  	s26 =	sshll.u32 s20, $0x4;
	vm4 =	vlt.u32 v3, $0xC400  }
0x9d: {  	s30 =	sand.u32 $0x10, s26;
	s24 =	ssub.s32 s24, s25;
	v3 =	vnsel vm4, $0xFFFFFFFE, v3;
	vm4 =	vlt.u32 @!p1 v4, $0xC400  }
0x9e: {  	s24 =	sshra.s32 s24, $0x2;
	[tilespmem:s30+$0x60] =	vst v3;
	v3 =	vnsel @!p1 vm4, $0xFFFFFFFE, v4  }
0x9f: {  	s28 =	sadd.s32 $0x2030, s24;
	[tilespmem:$0x80] =	vst @!p1 v3  }
0xa0: {  	v3 =	vld.msk [tilespmem:s28+$0x0 ss:$0x1], $0xffff;
	_ =	sdelay $0x4  }
0xa1: {  	(xrf1) =	vunique.msk.u32 $0xffff, v3;
	_ =	sdelay $0xd  }
0xa2: {  	v4 =	vimm.s32 $0xFFFFFFFF;
	v5, _, _ =	vpop (xrf1)  }
0xa3: {  	vm5 =	vne.s32 v3, v4;
	vm4 =	veq.s32 v5, v2  }
0xa4: {  	vm6 =	vlt.u32 v3, $0xC400;
	vm4 =	vmand vm5, vm4  }
0xa5: {  	vm4 =	vmand vm6, vm4  }
0xa6: {  	v4 =	vnsel vm4, $0xFFFFFFFF, v3  }
0xa7: {  	s31 =	sand.u32 $0x1, s23  }
0xa8: {  	s23 =	simm.s32 $0x1F40;
	p1 =	seq.s32 s31, $0x1  }
0xa9: {  	s23 =	simm.s32 @!p1 $0x0  }
0xaa: {  	s24 =	sadd.s32 $0x7DF0, s23;
	(ifvalue) =	ssetifvalue $0xFFFFFFFF  }
0xab: {  	v3 =	vperm.xlane v3, v1;
	[tilespmem:s24], [sflag:$0x8] =	stream.indirect_vreg.gather [hbm4b:s1+s14], $0x1, v4, vm0, $0x4038;
	v4 =	vnsel vm6, $0xFFFFFFFE, v4;
	[tilespmem:$0x11A60] =	vst v63  }
0xac: {  	s25 =	simm.s32 $0x0;
	s26 =	sadd.s32 $0xFFFFFFF0, s28;
	[tilespmem:s28+$0x0] =	vst v4  }
.LBB3_3:
0xad: {  	v4 =	vld.msk [tilespmem:s26+$0x0 ss:$0x1], $0xffff;
	s25 =	sadd.s32 $0x10, s25;
	v5 =	vmov v3;
	s28 =	smov.u32 s26  }
0xae: {  	p1 =	slt.u32 s25, $0x1F30;
	_ =	sdelay $0x4  }
0xaf: {  	v3 =	vperm.xlane v4, v1;
	(xrf1) =	vunique.msk.u32 $0xffff, v4;
	_ =	sdelay $0xd  }
0xb0: {  	v6, _, _ =	vpop (xrf1)  }
0xb1: {  	vm5 =	vne.s32 v4, v5;
	vm4 =	veq.s32 v6, v2  }
0xb2: {  	vm6 =	vlt.u32 v4, $0xC400;
	vm4 =	vmand vm5, vm4  }
0xb3: {  	vm4 =	vmand vm6, vm4  }
0xb4: {  	v4 =	vnsel vm4, $0xFFFFFFFF, v4  }
.Ltmp11:
0xb5: {  	v5 =	vnsel vm6, $0xFFFFFFFE, v4;
	(pc) =	sbr.rel @p1 .LBB3_3-.Ltmp11, $3  }
0xb6: {  	_ =	sdelay $0x1  }
0xb7: {  	s26 =	sadd.s32 $0xFFFFFFF0, s26;
	s24 =	sadd.s32 $0xFFFFFFF0, s24;
	(ifvalue) =	ssetifvalue $0xFFFFFFFF  }
0xb8: {  	[tilespmem:s24], [sflag:$0x8] =	stream.indirect_vreg.gather [hbm4b:s1+s14], $0x1, v4, vm0, $0x4038;
	[tilespmem:s28+$0x0] =	vst v5  }
0xb9: {  	s22 =	sshrl.u32 s22, $0x3  }
0xba: {  	s23 =	sadd.s32 $0x9D40, s23;
	s22 =	sadd.s32 s8, s22  }
0xbb: {  	[tilespmem:s23], [sflag:$0x8] =	stream.linear.gather [hbm:s22], $0x1F40, $0x38;
	[tilespmem:$0x11A60] =	vst v63  }
.LBB3_5:
0xbc: {  	p1 =	sgt.u32 s20, $0x1B  }
.Ltmp12:
0xbd: {  	_ = 	snop;
	(pc) =	sbr.rel @p1 .LBB3_7-.Ltmp12, $1  }
0xbe: {  	_ =	sdelay $0x3  }
0xbf: {  	s22 =	sshll.u32 s3, s20  }
0xc0: {  	s22 =	sand.u32 $0x8000003, s22  }
0xc1: {  	p1 =	sne.s32 s22, $0x0  }
.Ltmp13:
0xc2: {  	_ = 	snop;
	(pc) =	sbr.rel @p1 .LBB3_10-.Ltmp13, $1  }
0xc3: {  	_ =	sdelay $0x3  }
.LBB3_7:
0xc4: {  	s22 =	sadd.s32 $0xFFFFFFFE, s20  }
0xc5: {  	s23 =	smulhi.u32 $0xAAAAAAAB, s22;
	_ =	sdelay $0x1  }
0xc6: {  	s23 =	sshrl.u32 s23, $0x1  }
0xc7: {  	s23 =	smul.u32 $0x3, s23;
	_ =	sdelay $0x1  }
0xc8: {  	s22 =	ssub.s32 s22, s23  }
0xc9: {  	_ =	swait.ge [sflag:s7], $0x3E80;
	s26 =	smul.u32 $0x1F40, s22  }
0xca: {  	p1 =	sne.s32 s20, $0x1A;
	[sflag:s7] =	ssyncset.done $0x0  }
0xcb: {  	[sflag:s7] =	ssyncadd.s32 $0xFFFFC180;
	s22 =	sadd.s32 @!p1 $0x203F, s26  }
0xcc: {  	[spmem:s11] =	stream.linear.scatter @!p1 [tilespmem:s22], [sflag:$0x1], $0x1, $0x38;
	[tilespmem:$0x11A60] =	vst v63  }
0xcd: {  	s22 =	simm.s32 @!p1 $0x1  }
0xce: {  	_ =	swait.ge @!p1 [sflag:s22], $0x1  }
0xcf: {  	s25 =	sshll.u32 s20, $0x4;
	[sflag:s22] =	ssyncset.done @!p1 $0x0  }
0xd0: {  	[sflag:s22] =	ssyncadd.s32 @!p1 $0xFFFFFFFF;
	s22 =	sand.u32 $0x10, s25  }
0xd1: {  	v4 =	vld [tilespmem:s22+$0x10];
	s28 =	sxor.u32 $0x10, s22  }
0xd2: {  	v5 =	vld [tilespmem:s28+$0x60]  }
0xd3: {  	v3 =	vld [tilespmem:$0x80];
	_ =	sdelay $0x2  }
0xd4: {  	(v2sf) =	vpush v4, $0x0  }
0xd5: {  	(v2sf) =	vpush v5, $0x0  }
0xd6: {  	(v2sf) =	vpush v3, $0x0;
	_ =	sdelay $0xc  }
0xd7: {  	s23 =	spop (v2sf)  }
0xd8: {  	s25 =	spop (v2sf)  }
0xd9: {  	s24 =	spop (v2sf)  }
0xda: {  	p2 =	seq.s32 s23, s25;
	p3 =	seq.s32 s24, s23  }
0xdb: {  	p3 =	por p2, p3  }
0xdc: {  	s23 =	sand.u32 $0x1, s20;
	v4 =	vpsel p3, $0xFFFFFFFF, v4  }
0xdd: {  	s25 =	smul.u32 $0x1F40, s23;
	[tilespmem:s22+$0x10] =	vst.msk $0x1, v4  }
0xde: {  	v4 =	vld [tilespmem:$0x30]  }
0xdf: {  	v5 =	vld [tilespmem:s25+$0x9D40]  }
0xe0: {  	v6 =	vld [tilespmem:s22+$0x40];
	_ =	sdelay $0x3  }
0xe1: {  	vm4 =	vmmov vm1;
	v5 =	vadd.f32 v5, v4  }
0xe2: {  	vm5 =	vmmov vm2;
	vm4 =	vmmov @p2 vm2;
	s23 =	sshll.u32 s23, $0x4;
	v4 =	vadd.f32 v6, v4  }
0xe3: {  	vm5 =	vmmov @p3 vm1;
	s23 =	sor.u32 $0x11A40, s23;
	[tilespmem:s25+$0x9D40] =	vst.msk vm4, v5  }
0xe4: {  	[tilespmem:s23+$0x0] =	vst.msk vm5, v4  }
0xe5: {  	v4 =	vld [tilespmem:s25+$0x7DF0];
	_ =	sdelay $0x3  }
0xe6: {  	v5 =	vimm.f32 $0.0e+00  }
0xe7: {  	v4 =	vshift.insert v4, v5, s18  }
0xe8: {  	s29 =	sor.u32 $0x40, s28  }
0xe9: {  	[tilespmem:s29+$0x0] =	vst.msk $0x1, v4  }
0xea: {  	[tilespmem:s25+$0x7DFF] =	vst.msk $0x1, v5  }
0xeb: {  	v4 =	vld [tilespmem:s26+$0x2030];
	_ =	sdelay $0x1  }
0xec: {  	s29 =	smulhi.u32 $0xAAAAAAAB, s17;
	s26 =	simm.s32 $0x1  }
0xed: {  	s26 =	simm.s32 @!p0 $0x0  }
0xee: {  	s29 =	sshrl.u32 s29, $0x1;
	s26 =	smul.u32 $0x7D00, s26  }
0xef: {  	s29 =	smul.u32 $0xFFFE8900, s29;
	v4 =	vshift.insert v4, v1, s18  }
0xf0: {  	s30 =	sshrl.u32 s26, $0x2  }
0xf1: {  	s29 =	sshra.s32 s29, $0x2;
	s26 =	sadd.s32 $0x9D40, s30;
	[tilespmem:s28+$0x10] =	vst.msk $0x1, v4  }
0xf2: {  	s31 =	sadd.s32 s29, s16;
	v6 =	vld [tilespmem:s26+$0x0]  }
0xf3: {  	v7 =	vld [tilespmem:s31+$0x0];
	_ =	sdelay $0x3  }
0xf4: {  	v5 =	vadd.f32 v6, v5  }
0xf5: {  	vm4 =	vne.s32 v7, $0xFFFFFFFF  }
0xf6: {  	(xrf2) =	vadd.seg.scan.f32 vm4, v5;
	_ =	sdelay $0x3  }
0xf7: {  	s28 =	sadd.s32 $0x5EC0, s30;
	v5 =	vperm.xlane v4, v1  }
0xf8: {  	v6 =	vld [tilespmem:s28+$0x0]  }
0xf9: {  	vm5 =	veq.s32 v7, v3;
	vm6 =	veq.s32 v7, v5  }
0xfa: {  	vm7 =	vgt.u32 v7, $0xFFFFFFFD;
	vm6 =	vmor vm6, vm5  }
0xfb: {  	vm6 =	vmor vm6, vm7  }
0xfc: {  	v9 =	vld [tilespmem:$0xA0];
	v7 =	vsel vm6, $0xFFFFFFFF, v7  }
0xfd: {  	v10 =	vld [tilespmem:$0x90];
	v6 =	vsel vm5, $0x0, v6;
	v8, _, _ =	vpop (xrf2)  }
0xfe: {  	v6 =	vadd.f32 v8, v6  }
0xff: {  	s29 =	sadd.s32 $0xDBC0, s30  }
0x100: {  	vm4 =	vmand vm4, vm3;
	[tilespmem:s29+$0x0] =	vst v6;
	(ifvalue) =	ssetifvalue $0xFFFFFFFF  }
0x101: {  	vm6 =	veq.s32 v9, $0x1;
	[hbm4b:s1+s14] =	stream.indirect_vreg.scatter [tilespmem:s29], [sflag:$0x2], $0x1, v7, vm0, $0x4038;
	v7 =	vsel vm4, $0x0, v8;
	[tilespmem:$0x11A60] =	vst v63  }
0x102: {  	s30 =	simm.s32 $0x0;
	s31 =	sadd.s32 $0x10, s31;
	vm4 =	vmor vm6, vm5;
	v6 =	vsel vm5, v8, v10;
	v7 =	vshift.insert v7, v0, s18  }
.LBB3_8:
0x103: {  	v8 =	vld [tilespmem:s31+$0x0];
	s26 =	sadd.s32 $0x10, s26  }
0x104: {  	s28 =	sadd.s32 $0x10, s28;
	v9 =	vld [tilespmem:s26+$0x0]  }
0x105: {  	s30 =	sadd.s32 $0x10, s30;
	v10 =	vld [tilespmem:s28+$0x0]  }
0x106: {  	p2 =	slt.u32 s30, $0x1F30;
	_ =	sdelay $0x2  }
0x107: {  	v7 =	vadd.f32 v9, v7  }
0x108: {  	vm5 =	vne.s32 v8, $0xFFFFFFFF  }
0x109: {  	vm6 =	vmand vm5, vm3;
	(xrf2) =	vadd.seg.scan.f32 vm5, v7;
	_ =	sdelay $0x5  }
0x10a: {  	vm7 =	veq.s32 v8, v5;
	vm5 =	veq.s32 v8, v3  }
0x10b: {  	vm8 =	vgt.u32 v8, $0xFFFFFFFD;
	vm4 =	vmor vm4, vm5;
	vm7 =	vmor vm7, vm5  }
0x10c: {  	vm7 =	vmor vm7, vm8  }
0x10d: {  	v8 =	vsel vm7, $0xFFFFFFFF, v8  }
.Ltmp14:
0x10e: {  	v7 =	vsel vm5, $0x0, v10;
	v9, _, _ =	vpop (xrf2);
	(pc) =	sbr.rel @p2 .LBB3_8-.Ltmp14, $4  }
0x10f: {  	v6 =	vsel vm5, v9, v6;
	v10 =	vadd.f32 v9, v7;
	v7 =	vsel vm6, $0x0, v9  }
0x110: {  	s29 =	sadd.s32 $0x10, s29;
	v7 =	vshift.insert v7, v0, s18  }
0x111: {  	s31 =	sadd.s32 $0x10, s31;
	[tilespmem:s29+$0x0] =	vst v10;
	(ifvalue) =	ssetifvalue $0xFFFFFFFF  }
0x112: {  	[hbm4b:s1+s14] =	stream.indirect_vreg.scatter [tilespmem:s29], [sflag:$0x2], $0x1, v8, vm0, $0x4038;
	[tilespmem:$0x11A60] =	vst v63  }
0x113: {  	v3 =	vld [tilespmem:s25+$0xFAF0];
	_ =	sdelay $0x4  }
0x114: {  	v3 =	vshift.insert v3, v0, s18;
	_ =	sdelay $0x1  }
0x115: {  	[tilespmem:s19+$0x0] =	vst.msk $0x1, v3  }
0x116: {  	v3 =	vsel vm4, $0x1, v1;
	[tilespmem:$0x90] =	vst v6  }
0x117: {  	s25 =	sadd.s32 @!p1 $0xFAFF, s25;
	[tilespmem:$0xA0] =	vst v3  }
0x118: {  	[spmem:s12] =	stream.linear.scatter @!p1 [tilespmem:s25], [sflag:$0x1], $0x1, $0x38;
	[tilespmem:$0x11A60] =	vst v63  }
0x119: {  	s25 =	simm.s32 @!p1 $0x1  }
0x11a: {  	v3 =	vmctz.xlane @!p1 vm4;
	_ =	swait.ge @!p1 [sflag:s25], $0x1  }
0x11b: {  	(v2sf) =	vpush @!p1 v4, $0x0  }
0x11c: {  	(v2sf) =	vpush @!p1 v3, $0x0;
	_ =	sdelay $0xd  }
0x11d: {  	s26 =	spop @!p1 (v2sf)  }
0x11e: {  	s28 =	spop @!p1 (v2sf)  }
0x11f: {  	p2 =	sne.s32 @!p1 s24, s26;
	p3 =	slt.s32 @!p1 s28, $0xF  }
0x120: {  	[sflag:s25] =	ssyncset.done @!p1 $0x0;
	p2 =	por p2, p1;
	p3 =	por !p3, p1  }
0x121: {  	[sflag:s25] =	ssyncadd.s32 @!p1 $0xFFFFFFFF;
	v3 =	vimm.s32 @!p2 $0xFFFFFFFF;
	s28 =	simm.s32 @p3 $0xF  }
0x122: {  	[tilespmem:$0x80] =	vst @!p2 v3;
	s24 =	sadd.s32 @!p1 $0x90, s28  }
0x123: {  	[spmem:s10] =	stream.linear.scatter @!p1 [tilespmem:s24], [sflag:$0x1], $0x1, $0x38;
	[tilespmem:$0x11A60] =	vst v63  }
0x124: {  	_ =	swait.ge @!p1 [sflag:s25], $0x1  }
0x125: {  	[sflag:s25] =	ssyncset.done @!p1 $0x0  }
0x126: {  	s24 =	simm.s32 @!p1 $0x80;
	[sflag:s25] =	ssyncadd.s32 @!p1 $0xFFFFFFFF  }
0x127: {  	[spmem:s13] =	stream.linear.scatter @!p1 [tilespmem:s24], [sflag:$0x1], $0x1, $0x38;
	[tilespmem:$0x11A60] =	vst v63  }
0x128: {  	_ =	swait.ge @!p1 [sflag:s25], $0x1  }
0x129: {  	[sflag:s25] =	ssyncset.done @!p1 $0x0  }
0x12a: {  	[sflag:s25] =	ssyncadd.s32 @!p1 $0xFFFFFFFF;
	(ifvalue) =	ssetifvalue $0xFFFFFFFF;
	v3 =	vld [tilespmem:s22+$0x10];
	_ =	sdelay $0x3  }
.Ltmp15:
0x12b: {  	_ = 	snop;
	(pc) =	sbr.rel .LBB3_10-.Ltmp15, $3  }
0x12c: {  	_ =	sdelay $0x1  }
0x12d: {  	(ifvalue) =	ssetifvalue $0xFFFFFFFF  }
0x12e: {  	[hbm4b:s1+s14] =	stream.indirect_vreg.scatter [tilespmem:s23], [sflag:$0x9], $0x1, v3, vm0, $0x4038;
	[tilespmem:$0x11A60] =	vst v63  }
.LBB3_11:
0x12f: {  	_ =	sfence.sel $0x180000  }
0x130: {  	s2 =	simm.s32 $0x7;
	[bflag:$0x0] =	sbarrier.arrive $0xFFFF  }
0x131: {  	s26 =	simm.s32 $0x8;
	[sflag:s2] =	ssyncpa.u1 $0x1  }
0x132: {  	s28 =	simm.s32 $0x9;
	[sflag:s26] =	ssyncpa.u1 $0x1  }
0x133: {  	[sflag:s28] =	ssyncpa.u1 $0x1  }
0x134: {  	_ =	sfence.stream.spmem  }
0x135: {  	s29 =	simm.s32 $0x3;
	[bflag:$0x0] =	sbarrier.arrive $0xFFFF  }
0x136: {  	s30 =	simm.s32 $0x4;
	[sflag:s29] =	ssyncpa.u1 $0x1  }
0x137: {  	s31 =	simm.s32 $0x3C;
	[sflag:s30] =	ssyncpa.u1 $0x1  }
0x138: {  	p0 =	sne.s32 s4, $0x0;
	[sflag:s31] =	ssyncpa.u1 $0x1  }
0x139: {  	s0 =	simm.s32 @p0 $0x1;
	_ =	sfence @p0  }
0x13a: {  	[sflag:s0] =	ssyncpa.u1 @p0 $0x1;
	s0 =	simm.s32 @p0 $0x2  }
0x13b: {  	[sflag:s0] =	ssyncpa.u1 @p0 $0x1  }
0x13c: {  	_ =	strace @p0 $0x9000004A  }
0x13d: {  	[bflag:$0x2] =	sbarrier.arrive @p0 $0xFFFF  }
0x13e: {  	_ =	shalt @p0  }
.LBB3_12:
0x13f: {  	_ =	sfence.stream.spmem;
	s4 =	simm.s32 $0x5  }
0x140: {  	s2 =	simm.s32 $0x80;
	s3 =	simm.s32 $0xC0;
	[sflag:s4] =	ssyncpa.u1 $0x0  }
0x141: {  	[tilespmem:s3], [sflag:$0x5] =	stream.linear.gather [spmem:s2], $0x20, $0x38;
	[tilespmem:$0x11A60] =	vst v63  }
0x142: {  	s2 =	simm.s32 $0x0;
	s3 =	simm.s32 $0xE0  }
0x143: {  	[tilespmem:s3], [sflag:$0x5] =	stream.linear.gather [spmem:s2], $0x20, $0x38;
	[tilespmem:$0x11A60] =	vst v63  }
.Ltmp16:
0x144: {  	_ = 	snop;
	(pc) =	sbr.rel .LBB3_13-.Ltmp16, $4  }
0x145: {  	_ =	swait.ge [sflag:s4], $0x40  }
0x146: {  	[sflag:s4] =	ssyncset.done $0x0  }
0x147: {  	s31 =	simm.s32 $0x6;
	[sflag:s4] =	ssyncadd.s32 $0xFFFFFFC0  }
0x148: {  	s4 =	simm.s32 $0x0;
	[sflag:s31] =	ssyncpa.u1 $0x0  }
.LBB3_18:
0x149: {  	p0 =	sgt.u32 s5, $0xC3FF  }
0x14a: {  	s6 =	sshrl.u32 @!p0 s5, $0x3  }
0x14b: {  	s5 =	sand.u32 @!p0 $0x7, s5;
	s7 =	simm.s32 @!p0 $0xB0;
	s6 =	sadd.s32 @!p0 s1, s6  }
0x14c: {  	[tilespmem:s7], [sflag:$0x6] =	stream.linear.gather @!p0 [hbm4b:s6+s5], $0x1, $0x38;
	[tilespmem:$0x11A60] =	vst v63  }
0x14d: {  	s5 =	simm.s32 @!p0 $0x6  }
0x14e: {  	_ =	swait.ge @!p0 [sflag:s5], $0x1  }
0x14f: {  	[sflag:s5] =	ssyncset.done @!p0 $0x0  }
0x150: {  	[sflag:s5] =	ssyncadd.s32 @!p0 $0xFFFFFFFF  }
0x151: {  	v2 =	vmov @!p0 s4;
	v1 =	vld.msk @!p0 [tilespmem:$0xB0], $0x1;
	_ =	sdelay $0x3  }
0x152: {  	s5 =	simm.s32 @!p0 $0xE0  }
0x153: {  	[tilespmem:v2+s5+$0x0], v1 =	vst.idx.ret.add.f32.msk @!p0 $0x1, v1  }
0x154: {  	[tilespmem:s2+$0xC0] =	vst.msk $0x1, v0  }
0x155: {  	v0 =	vld.msk [tilespmem:s4+$0xE0], $0x1;
	_ =	sdelay $0x4  }
0x156: {  	[tilespmem:s2+$0xE0] =	vst.msk $0x1, v0;
	s2 =	sadd.s32 $0x1, s2  }
.LBB3_20:
0x157: {  	s4 =	sadd.s32 $0x1, s4  }
0x158: {  	p0 =	sne.s32 s4, $0x20  }
.Ltmp17:
0x159: {  	_ = 	snop;
	(pc) =	sbr.rel @!p0 .LBB3_21-.Ltmp17, $1  }
0x15a: {  	_ =	sdelay $0x3  }
.LBB3_13:
0x15b: {  	v0 =	vld.msk [tilespmem:s4+$0xC0], $0x1;
	_ =	sdelay $0x4  }
0x15c: {  	(v2sf) =	vpush v0, $0x0;
	_ =	sdelay $0xe  }
0x15d: {  	s5 =	spop (v2sf)  }
0x15e: {  	p0 =	seq.s32 s5, $0xFFFFFFFF  }
.Ltmp18:
0x15f: {  	_ = 	snop;
	(pc) =	sbr.rel @p0 .LBB3_20-.Ltmp18, $1  }
0x160: {  	_ =	sdelay $0x3  }
0x161: {  	p0 =	slt.s32 s2, $0x1  }
.Ltmp19:
0x162: {  	_ = 	snop;
	(pc) =	sbr.rel @p0 .LBB3_18-.Ltmp19, $1  }
0x163: {  	_ =	sdelay $0x3  }
0x164: {  	s6 =	simm.s32 $0xC0;
	p0 =	por $0x0, $0x0  }
0x165: {  	v1 =	vld.msk @!p0 [tilespmem:s6+$0x0], $0x1;
	_ =	sdelay $0x4  }
0x166: {  	(v2sf) =	vpush @!p0 v1, $0x0;
	_ =	sdelay $0xd  }
0x167: {  	p2 =	sne.s32 s2, $0x1  }
.Ltmp20:
0x168: {  	s7 =	spop @!p0 (v2sf);
	(pc) =	sbr.rel @!p2 .LBB3_17-.Ltmp20, $4  }
0x169: {  	p1 =	seq.s32 @!p0 s5, s7  }
0x16a: {  	s7 =	simm.s32 $0x0;
	p1 =	por !p1, p0  }
0x16b: {  	s9 =	simm.s32 $0xFFFFFFFF;
	s7 =	simm.s32 @p1 $0xFFFFFFFF  }
0x16c: {  	s8 =	simm.s32 $0x1;
	s7 =	smov.u32 @p0 s9  }
.LBB3_16:
0x16d: {  	s9 =	smov.u32 s7;
	p0 =	sne.s32 s7, $0xFFFFFFFF  }
0x16e: {  	s6 =	sadd.s32 $0x1, s6;
	s7 =	smov.u32 s8;
	s8 =	sadd.s32 $0x1, s8  }
0x16f: {  	p1 =	sne.s32 s2, s8;
	v1 =	vld.msk @!p0 [tilespmem:s6+$0x0], $0x1;
	_ =	sdelay $0x4  }
0x170: {  	(v2sf) =	vpush @!p0 v1, $0x0;
	_ =	sdelay $0xe  }
.Ltmp21:
0x171: {  	s10 =	spop @!p0 (v2sf);
	(pc) =	sbr.rel @p1 .LBB3_16-.Ltmp21, $4  }
0x172: {  	p2 =	seq.s32 @!p0 s5, s10  }
0x173: {  	p2 =	por !p2, p0  }
0x174: {  	s7 =	simm.s32 @p2 $0xFFFFFFFF  }
0x175: {  	s7 =	smov.u32 @p0 s9  }
.LBB3_17:
0x176: {  	p0 =	sne.s32 s7, $0xFFFFFFFF  }
.Ltmp22:
0x177: {  	_ = 	snop;
	(pc) =	sbr.rel @!p0 .LBB3_18-.Ltmp22, $1  }
0x178: {  	_ =	sdelay $0x3  }
0x179: {  	v0 =	vld.msk [tilespmem:s4+$0xE0], $0x1;
	v1 =	vmov s7  }
.Ltmp23:
0x17a: {  	_ = 	snop;
	(pc) =	sbr.rel .LBB3_20-.Ltmp23, $2  }
0x17b: {  	_ =	sdelay $0x2  }
0x17c: {  	[tilespmem:v1+s3+$0x0], v0 =	vst.idx.ret.add.f32.msk $0x1, v0  }
.LBB3_21:
0x17d: {  	p0 =	slt.s32 s2, $0x1  }
.Ltmp24:
0x17e: {  	_ = 	snop;
	(pc) =	sbr.rel @p0 .LBB3_25-.Ltmp24, $3  }
0x17f: {  	_ =	sdelay $0x1  }
0x180: {  	s3 =	simm.s32 $0x6  }
0x181: {  	[sflag:s3] =	ssyncpa.u1 $0x1;
	s3 =	simm.s32 $0x0  }
0x182: {  	s4 =	simm.s32 $0xC0  }
0x183: {  	v0 =	vld.msk [tilespmem:s4+$0x0], $0x1;
	_ =	sdelay $0x4  }
0x184: {  	(v2sf) =	vpush v0, $0x0;
	_ =	sdelay $0xe  }
0x185: {  	s2 =	sadd.s32 $0xFFFFFFFF, s2;
	s5 =	spop (v2sf)  }
0x186: {  	p1 =	sne.s32 s2, $0x0;
	p0 =	sgt.u32 s5, $0xC3FF  }
.Ltmp25:
0x187: {  	s6 =	sshrl.u32 @!p0 s5, $0x3;
	(pc) =	sbr.rel @!p1 .LBB3_24-.Ltmp25, $4  }
0x188: {  	s4 =	simm.s32 $0xE0;
	s5 =	sand.u32 @!p0 $0x7, s5;
	s6 =	sadd.s32 @!p0 s1, s6  }
0x189: {  	[hbm4b:s6+s5] =	stream.linear.scatter @!p0 [tilespmem:s4], [sflag:$0x5], $0x1, $0x38;
	[tilespmem:$0x11A60] =	vst v63  }
0x18a: {  	s6 =	simm.s32 $0x0  }
0x18b: {  	s5 =	simm.s32 $0xC1;
	s6 =	simm.s32 @!p0 $0x4  }
.LBB3_23:
0x18c: {  	v0 =	vld.msk [tilespmem:s5+$0x0], $0x1;
	s2 =	sadd.s32 $0xFFFFFFFF, s2;
	s3 =	sadd.s32 s3, s6  }
0x18d: {  	p0 =	sne.s32 s2, $0x0;
	_ =	sdelay $0x3  }
0x18e: {  	(v2sf) =	vpush v0, $0x0;
	_ =	sdelay $0xe  }
.Ltmp26:
0x18f: {  	s7 =	spop (v2sf);
	(pc) =	sbr.rel @p0 .LBB3_23-.Ltmp26, $4  }
0x190: {  	s6 =	simm.s32 $0x0;
	p1 =	sgt.u32 s7, $0xC3FF  }
0x191: {  	s4 =	sadd.s32 $0x1, s4;
	s6 =	simm.s32 @!p1 $0x4;
	s8 =	sshrl.u32 @!p1 s7, $0x3  }
0x192: {  	s5 =	sadd.s32 $0x1, s5;
	s7 =	sand.u32 @!p1 $0x7, s7;
	s8 =	sadd.s32 @!p1 s1, s8  }
0x193: {  	[hbm4b:s8+s7] =	stream.linear.scatter @!p1 [tilespmem:s4], [sflag:$0x5], $0x1, $0x38;
	[tilespmem:$0x11A60] =	vst v63  }
.LBB3_24:
0x194: {  	s1 =	sadd.s32 s3, s6  }
0x195: {  	s3 =	sshrl.u32 s1, $0x2  }
.LBB3_25:
0x196: {  	s1 =	simm.s32 $0x5  }
0x197: {  	_ =	swait.ge [sflag:s1], s3  }
0x198: {  	s2 =	ssub.s32 $0x0, s3;
	[sflag:s1] =	ssyncset.done $0x0  }
0x199: {  	[sflag:s1] =	ssyncadd.s32 s2  }
0x19a: {  	[sflag:s1] =	ssyncpa.u1 $0x1  }
0x19b: {  	s30 =	simm.s32 $0x1;
	_ =	sfence  }
0x19c: {  	s31 =	simm.s32 $0x2;
	[sflag:s30] =	ssyncpa.u1 $0x1  }
0x19d: {  	[sflag:s31] =	ssyncpa.u1 $0x1  }
0x19e: {  	_ =	strace $0x9000004A  }
0x19f: {  	s0 =	sadd.s32 $0x100000, s0;
	[bflag:$0x2] =	sbarrier.arrive $0xFFFF  }
0x1a0: {  	[sflag:s0] =	ssyncadd.tile.s32 $0x1;
	_ =	shalt  }
.Lfunc_end3:
_tile_overlayer_lowered:
.L_overlay_start_3:
0x1a1: {  	(tag) =	ssettag $0x3  }
0x1a2: {  	s0 =	rddreg [dreg:$0x0];
	s2 =	stileid.u32  }
0x1a3: {  	s1 =	rddreg [dreg:$0x1];
	p0 =	sne.s32 s2, $0x0  }
0x1a4: {  	s3 =	rddreg [dreg:$0x2];
	[bflag:$0x3] =	sbarrier.arrive $0xFFFF;
	s2 =	simm.s32 @!p0 $0x1C01  }
0x1a5: {  	[timem:s3], [sflag:s2] =	dma.local @!p0 [hbm:s0], s1  }
0x1a6: {  	s0 =	simm.s32 @!p0 $0x1  }
0x1a7: {  	_ =	swait.ge @!p0 [sflag:s0], s1  }
0x1a8: {  	s1 =	ssub.s32 @!p0 $0x0, s1;
	[sflag:s0] =	ssyncset.done @!p0 $0x0  }
0x1a9: {  	[sflag:s0] =	ssyncadd.s32 @!p0 s1  }
0x1aa: {  	[bflag:$0x3] =	sbarrier.arrive $0xFFFF  }
0x1ab: {  	_ =	shalt  }

</sc_bundles>
